<compile_context>
chip_gen: v7x
topology: tpu7x:2x2x1
jax: 0.10.2.dev20260603
libtpu: 0.0.44.dev20260713+nightly
codegen_flags: <defaults>
</compile_context>

<pallas_src>
import functools

import jax
import jax.numpy as jnp
from jax import lax
from jax.experimental import pallas as pl
from jax.experimental.pallas import tpu as pltpu
from jax.experimental.pallas import tpu_sc as plsc

_CHUNK = 64


@functools.lru_cache(maxsize=None)
def _build(V, D, BATCH, SEQ):
    info = plsc.get_sparse_core_info()
    NC, NS, L = info.num_cores, info.num_subcores, info.num_lanes
    NW = NC * NS
    B = BATCH * SEQ
    assert SEQ == NW * _CHUNK and D % L == 0
    rows_per_w = BATCH * _CHUNK
    scale = float(D) ** 0.5
    mesh = plsc.VectorSubcoreMesh(core_axis_name="c", subcore_axis_name="s")

    @functools.partial(
        pl.kernel,
        mesh=mesh,
        out_type=jax.ShapeDtypeStruct((BATCH, SEQ, D), jnp.float32),
        scratch_types=[
            pltpu.VMEM((BATCH, _CHUNK), jnp.int32),
            pltpu.VMEM((rows_per_w, D), jnp.float32),
            pltpu.VMEM((_CHUNK, D), jnp.float32),
            pltpu.SemaphoreType.DMA,
            pltpu.SemaphoreType.DMA,
            pltpu.SemaphoreType.DMA,
            pltpu.SemaphoreType.DMA,
        ],
    )
    def emb_kernel(idx_hbm, table_hbm, pe_hbm, out_hbm, idx_v, rows_v, pe_v,
                   sem_i, sem_g, sem_pe, sem_w):
        c = lax.axis_index("c")
        s = lax.axis_index("s")
        t = s * NC + c

        pe_cp = pltpu.async_copy(pe_hbm.at[pl.ds(t * _CHUNK, _CHUNK)], pe_v, sem_pe)
        idx_cps = [
            pltpu.async_copy(idx_hbm.at[b, pl.ds(t * _CHUNK, _CHUNK)], idx_v.at[b], sem_i)
            for b in range(BATCH)
        ]
        for cp in idx_cps:
            cp.wait()
        gathers = [
            pltpu.async_copy(
                table_hbm.at[idx_v.at[b]],
                rows_v.at[pl.ds(b * _CHUNK, _CHUNK)],
                sem_g,
            )
            for b in range(BATCH)
        ]
        pe_cp.wait()

        writes = []
        for b in range(BATCH):
            gathers[b].wait()
            splits = (
                [(0, _CHUNK)] if b < BATCH - 1
                else [(0, _CHUNK // 2), (_CHUNK // 2, _CHUNK)]
            )
            for lo, hi in splits:

                @plsc.parallel_loop(lo, hi, step=1, unroll=1)
                def body(i):
                    for j in range(D // L):
                        sl = pl.ds(j * L, L)
                        rows_v[b * _CHUNK + i, sl] = (
                            rows_v[b * _CHUNK + i, sl] * scale + pe_v[i, sl]
                        )

                writes.append(
                    pltpu.async_copy(
                        rows_v.at[pl.ds(b * _CHUNK + lo, hi - lo)],
                        out_hbm.at[b, pl.ds(t * _CHUNK + lo, hi - lo)],
                        sem_w,
                    )
                )
        for wcp in writes:
            wcp.wait()

    return emb_kernel


def kernel(src_ids, W, pe):
    BATCH, SEQ = src_ids.shape
    V, D = W.shape
    return _build(V, D, BATCH, SEQ)(src_ids.astype(jnp.int32), W, pe)

# --- scband reference (transcript-rebuilt; emitter-appended) ---
"""Pipeline reference for scband-embedding-81999515616040 (READ-ONLY COPY).

The authoritative reference and input builder live on the scoring server;
editing this copy changes nothing except your own understanding.
"""

import jax, jax.numpy as jnp
import numpy as np
import math

VOCAB = 1000000
D_MODEL = 128
SEQ_LEN = 2048
BATCH = 4


def generate_positional_encoding(seq_len, d_model):
    position = np.arange(0, seq_len, dtype=np.float64)[:, None]
    denominator = np.exp(math.log(10000.0) * -np.arange(0, d_model, 2, dtype=np.float64) / d_model)
    pe = np.zeros((seq_len, d_model), dtype=np.float32)
    pe[:, 0::2] = np.sin(position * denominator).astype(np.float32)
    pe[:, 1::2] = np.cos(position * denominator).astype(np.float32)
    return jnp.asarray(pe)


def setup_inputs(seed: int = 0) -> dict:
    key = jax.random.key(seed)
    k_idx, k_w = jax.random.split(key)
    src_ids = jax.random.randint(k_idx, (BATCH, SEQ_LEN), 0, VOCAB, dtype=jnp.int64)
    W = jax.random.normal(k_w, (VOCAB, D_MODEL), dtype=jnp.float32)
    pe = generate_positional_encoding(SEQ_LEN, D_MODEL)
    return {"src_ids": src_ids, "W": W, "pe": pe}


def reference(src_ids, W, pe):
    # word embedding lookup (gather) scaled by sqrt(d_model)
    scale = float(W.shape[1]) ** 0.5
    x = jnp.take(W, src_ids, axis=0) * scale
    # add positional encoding buffer (broadcast over batch)
    x = x + pe[None, :, :]
    # dropout in eval mode -> identity
    return x

if __name__ == "__main__":
    import jax
    _d = setup_inputs()
    print(jax.jit(kernel)(*tuple(_d.values())))

</pallas_src>

<mosaic_0001>
#map = affine_map<(d0, d1) -> (0, 0)>
#map1 = affine_map<(d0, d1) -> (0, 0, 0)>
module attributes {stable_mosaic.version = 14 : i64} {
  func.func @emb_kernel(%arg0: i32, %arg1: i32, %arg2: memref<4x2048xi32, #tpu.memory_space<hbm>>, %arg3: memref<1000000x128xf32, #tpu.memory_space<hbm>>, %arg4: memref<2048x128xf32, #tpu.memory_space<hbm>>, %arg5: memref<4x2048x128xf32, #tpu.memory_space<hbm>>, %arg6: memref<4x64xi32, #tpu.memory_space<vmem>>, %arg7: memref<256x128xf32, #tpu.memory_space<vmem>>, %arg8: memref<64x128xf32, #tpu.memory_space<vmem>>, %arg9: memref<!tpu.dma_semaphore, #tpu.memory_space<semaphore_mem>>, %arg10: memref<!tpu.dma_semaphore, #tpu.memory_space<semaphore_mem>>, %arg11: memref<!tpu.dma_semaphore, #tpu.memory_space<semaphore_mem>>, %arg12: memref<!tpu.dma_semaphore, #tpu.memory_space<semaphore_mem>>) attributes {dimension_semantics = [#tpu.dimension_semantics<core_parallel>, #tpu.dimension_semantics<subcore_parallel>], iteration_bounds = array<i64: 2, 16>, scalar_prefetch = 0 : i64, scratch_operands = 7 : i64, tpu.core_type = #tpu.core_type<sc_vector_subcore>, window_params = [{transform_indices = #map}, {transform_indices = #map}, {transform_indices = #map}, {transform_indices = #map1}]} {
    %mul3A = arith.constant 2 : i32
    %mul3A_0 = arith.muli %arg1, %mul3A : i32
    %add3A = arith.addi %mul3A_0, %arg0 : i32
    %mul3A_1 = arith.constant 64 : i32
    %mul3A_2 = arith.muli %add3A, %mul3A_1 : i32
    %dma_start3A = arith.constant 0 : i32
    %dma_start3A_3 = tpu.memref_slice %arg4[%mul3A_2, %dma_start3A] : memref<2048x128xf32, #tpu.memory_space<hbm>> -> memref<64x128xf32, #tpu.memory_space<hbm>>
    %dma_start3A_4 = arith.constant 0 : i32
    %dma_start3A_5 = tpu.memref_slice %arg4[%mul3A_2, %dma_start3A_4] : memref<2048x128xf32, #tpu.memory_space<hbm>> -> memref<64x128xf32, #tpu.memory_space<hbm>>
    tpu.enqueue_dma source(%dma_start3A_5 : memref<64x128xf32, #tpu.memory_space<hbm>>) target(%arg8 : memref<64x128xf32, #tpu.memory_space<vmem>>) target_semaphore(%arg11 : memref<!tpu.dma_semaphore, #tpu.memory_space<semaphore_mem>>)
    %mul3A_6 = arith.constant 64 : i32
    %mul3A_7 = arith.muli %add3A, %mul3A_6 : i32
    %dma_start3A_8 = arith.constant 0 : i32
    %dma_start3A_9 = arith.constant 0 : i32
    %dma_start3A_10 = arith.constant 0 : i32
    %dma_start3A_11 = tpu.memref_slice %arg6[%dma_start3A_9, %dma_start3A_10] : memref<4x64xi32, #tpu.memory_space<vmem>> -> memref<1x64xi32, #tpu.memory_space<vmem>>
    %dma_start3A_12 = tpu.memref_squeeze %dma_start3A_11 : memref<1x64xi32, #tpu.memory_space<vmem>> -> memref<64xi32, #tpu.memory_space<vmem>>
    %dma_start3A_13 = tpu.memref_slice %arg2[%dma_start3A_8, %mul3A_7] : memref<4x2048xi32, #tpu.memory_space<hbm>> -> memref<1x64xi32, #tpu.memory_space<hbm>>
    %dma_start3A_14 = tpu.memref_squeeze %dma_start3A_13 : memref<1x64xi32, #tpu.memory_space<hbm>> -> memref<64xi32, #tpu.memory_space<hbm>>
    %dma_start3A_15 = arith.constant 0 : i32
    %dma_start3A_16 = tpu.memref_slice %arg6[%dma_start3A_9, %dma_start3A_15] : memref<4x64xi32, #tpu.memory_space<vmem>> -> memref<1x64xi32, #tpu.memory_space<vmem>>
    %dma_start3A_17 = tpu.memref_squeeze %dma_start3A_16 : memref<1x64xi32, #tpu.memory_space<vmem>> -> memref<64xi32, #tpu.memory_space<vmem>>
    %dma_start3A_18 = tpu.memref_slice %arg2[%dma_start3A_8, %mul3A_7] : memref<4x2048xi32, #tpu.memory_space<hbm>> -> memref<1x64xi32, #tpu.memory_space<hbm>>
    %dma_start3A_19 = tpu.memref_squeeze %dma_start3A_18 : memref<1x64xi32, #tpu.memory_space<hbm>> -> memref<64xi32, #tpu.memory_space<hbm>>
    tpu.enqueue_dma source(%dma_start3A_19 : memref<64xi32, #tpu.memory_space<hbm>>) target(%dma_start3A_17 : memref<64xi32, #tpu.memory_space<vmem>>) target_semaphore(%arg9 : memref<!tpu.dma_semaphore, #tpu.memory_space<semaphore_mem>>)
    %mul3A_20 = arith.constant 64 : i32
    %mul3A_21 = arith.muli %add3A, %mul3A_20 : i32
    %dma_start3A_22 = arith.constant 1 : i32
    %dma_start3A_23 = arith.constant 1 : i32
    %dma_start3A_24 = arith.constant 0 : i32
    %dma_start3A_25 = tpu.memref_slice %arg6[%dma_start3A_23, %dma_start3A_24] : memref<4x64xi32, #tpu.memory_space<vmem>> -> memref<1x64xi32, #tpu.memory_space<vmem>>
    %dma_start3A_26 = tpu.memref_squeeze %dma_start3A_25 : memref<1x64xi32, #tpu.memory_space<vmem>> -> memref<64xi32, #tpu.memory_space<vmem>>
    %dma_start3A_27 = tpu.memref_slice %arg2[%dma_start3A_22, %mul3A_21] : memref<4x2048xi32, #tpu.memory_space<hbm>> -> memref<1x64xi32, #tpu.memory_space<hbm>>
    %dma_start3A_28 = tpu.memref_squeeze %dma_start3A_27 : memref<1x64xi32, #tpu.memory_space<hbm>> -> memref<64xi32, #tpu.memory_space<hbm>>
    %dma_start3A_29 = arith.constant 0 : i32
    %dma_start3A_30 = tpu.memref_slice %arg6[%dma_start3A_23, %dma_start3A_29] : memref<4x64xi32, #tpu.memory_space<vmem>> -> memref<1x64xi32, #tpu.memory_space<vmem>>
    %dma_start3A_31 = tpu.memref_squeeze %dma_start3A_30 : memref<1x64xi32, #tpu.memory_space<vmem>> -> memref<64xi32, #tpu.memory_space<vmem>>
    %dma_start3A_32 = tpu.memref_slice %arg2[%dma_start3A_22, %mul3A_21] : memref<4x2048xi32, #tpu.memory_space<hbm>> -> memref<1x64xi32, #tpu.memory_space<hbm>>
    %dma_start3A_33 = tpu.memref_squeeze %dma_start3A_32 : memref<1x64xi32, #tpu.memory_space<hbm>> -> memref<64xi32, #tpu.memory_space<hbm>>
    tpu.enqueue_dma source(%dma_start3A_33 : memref<64xi32, #tpu.memory_space<hbm>>) target(%dma_start3A_31 : memref<64xi32, #tpu.memory_space<vmem>>) target_semaphore(%arg9 : memref<!tpu.dma_semaphore, #tpu.memory_space<semaphore_mem>>)
    %mul3A_34 = arith.constant 64 : i32
    %mul3A_35 = arith.muli %add3A, %mul3A_34 : i32
    %dma_start3A_36 = arith.constant 2 : i32
    %dma_start3A_37 = arith.constant 2 : i32
    %dma_start3A_38 = arith.constant 0 : i32
    %dma_start3A_39 = tpu.memref_slice %arg6[%dma_start3A_37, %dma_start3A_38] : memref<4x64xi32, #tpu.memory_space<vmem>> -> memref<1x64xi32, #tpu.memory_space<vmem>>
    %dma_start3A_40 = tpu.memref_squeeze %dma_start3A_39 : memref<1x64xi32, #tpu.memory_space<vmem>> -> memref<64xi32, #tpu.memory_space<vmem>>
    %dma_start3A_41 = tpu.memref_slice %arg2[%dma_start3A_36, %mul3A_35] : memref<4x2048xi32, #tpu.memory_space<hbm>> -> memref<1x64xi32, #tpu.memory_space<hbm>>
    %dma_start3A_42 = tpu.memref_squeeze %dma_start3A_41 : memref<1x64xi32, #tpu.memory_space<hbm>> -> memref<64xi32, #tpu.memory_space<hbm>>
    %dma_start3A_43 = arith.constant 0 : i32
    %dma_start3A_44 = tpu.memref_slice %arg6[%dma_start3A_37, %dma_start3A_43] : memref<4x64xi32, #tpu.memory_space<vmem>> -> memref<1x64xi32, #tpu.memory_space<vmem>>
    %dma_start3A_45 = tpu.memref_squeeze %dma_start3A_44 : memref<1x64xi32, #tpu.memory_space<vmem>> -> memref<64xi32, #tpu.memory_space<vmem>>
    %dma_start3A_46 = tpu.memref_slice %arg2[%dma_start3A_36, %mul3A_35] : memref<4x2048xi32, #tpu.memory_space<hbm>> -> memref<1x64xi32, #tpu.memory_space<hbm>>
    %dma_start3A_47 = tpu.memref_squeeze %dma_start3A_46 : memref<1x64xi32, #tpu.memory_space<hbm>> -> memref<64xi32, #tpu.memory_space<hbm>>
    tpu.enqueue_dma source(%dma_start3A_47 : memref<64xi32, #tpu.memory_space<hbm>>) target(%dma_start3A_45 : memref<64xi32, #tpu.memory_space<vmem>>) target_semaphore(%arg9 : memref<!tpu.dma_semaphore, #tpu.memory_space<semaphore_mem>>)
    %mul3A_48 = arith.constant 64 : i32
    %mul3A_49 = arith.muli %add3A, %mul3A_48 : i32
    %dma_start3A_50 = arith.constant 3 : i32
    %dma_start3A_51 = arith.constant 3 : i32
    %dma_start3A_52 = arith.constant 0 : i32
    %dma_start3A_53 = tpu.memref_slice %arg6[%dma_start3A_51, %dma_start3A_52] : memref<4x64xi32, #tpu.memory_space<vmem>> -> memref<1x64xi32, #tpu.memory_space<vmem>>
    %dma_start3A_54 = tpu.memref_squeeze %dma_start3A_53 : memref<1x64xi32, #tpu.memory_space<vmem>> -> memref<64xi32, #tpu.memory_space<vmem>>
    %dma_start3A_55 = tpu.memref_slice %arg2[%dma_start3A_50, %mul3A_49] : memref<4x2048xi32, #tpu.memory_space<hbm>> -> memref<1x64xi32, #tpu.memory_space<hbm>>
    %dma_start3A_56 = tpu.memref_squeeze %dma_start3A_55 : memref<1x64xi32, #tpu.memory_space<hbm>> -> memref<64xi32, #tpu.memory_space<hbm>>
    %dma_start3A_57 = arith.constant 0 : i32
    %dma_start3A_58 = tpu.memref_slice %arg6[%dma_start3A_51, %dma_start3A_57] : memref<4x64xi32, #tpu.memory_space<vmem>> -> memref<1x64xi32, #tpu.memory_space<vmem>>
    %dma_start3A_59 = tpu.memref_squeeze %dma_start3A_58 : memref<1x64xi32, #tpu.memory_space<vmem>> -> memref<64xi32, #tpu.memory_space<vmem>>
    %dma_start3A_60 = tpu.memref_slice %arg2[%dma_start3A_50, %mul3A_49] : memref<4x2048xi32, #tpu.memory_space<hbm>> -> memref<1x64xi32, #tpu.memory_space<hbm>>
    %dma_start3A_61 = tpu.memref_squeeze %dma_start3A_60 : memref<1x64xi32, #tpu.memory_space<hbm>> -> memref<64xi32, #tpu.memory_space<hbm>>
    tpu.enqueue_dma source(%dma_start3A_61 : memref<64xi32, #tpu.memory_space<hbm>>) target(%dma_start3A_59 : memref<64xi32, #tpu.memory_space<vmem>>) target_semaphore(%arg9 : memref<!tpu.dma_semaphore, #tpu.memory_space<semaphore_mem>>)
    %dma_wait3A = arith.constant 0 : i32
    %dma_wait3A_62 = arith.constant 0 : i32
    %dma_wait3A_63 = arith.constant 0 : i32
    %dma_wait3A_64 = tpu.memref_slice %arg6[%dma_wait3A_62, %dma_wait3A_63] : memref<4x64xi32, #tpu.memory_space<vmem>> -> memref<1x64xi32, #tpu.memory_space<vmem>>
    %dma_wait3A_65 = tpu.memref_squeeze %dma_wait3A_64 : memref<1x64xi32, #tpu.memory_space<vmem>> -> memref<64xi32, #tpu.memory_space<vmem>>
    %dma_wait3A_66 = tpu.memref_slice %arg2[%dma_wait3A, %mul3A_7] : memref<4x2048xi32, #tpu.memory_space<hbm>> -> memref<1x64xi32, #tpu.memory_space<hbm>>
    %dma_wait3A_67 = tpu.memref_squeeze %dma_wait3A_66 : memref<1x64xi32, #tpu.memory_space<hbm>> -> memref<64xi32, #tpu.memory_space<hbm>>
    %dma_wait3A_68 = arith.constant 0 : i32
    %dma_wait3A_69 = tpu.memref_slice %arg6[%dma_wait3A_62, %dma_wait3A_68] : memref<4x64xi32, #tpu.memory_space<vmem>> -> memref<1x64xi32, #tpu.memory_space<vmem>>
    %dma_wait3A_70 = tpu.memref_squeeze %dma_wait3A_69 : memref<1x64xi32, #tpu.memory_space<vmem>> -> memref<64xi32, #tpu.memory_space<vmem>>
    %dma_wait3A_71 = tpu.memref_slice %arg2[%dma_wait3A, %mul3A_7] : memref<4x2048xi32, #tpu.memory_space<hbm>> -> memref<1x64xi32, #tpu.memory_space<hbm>>
    %dma_wait3A_72 = tpu.memref_squeeze %dma_wait3A_71 : memref<1x64xi32, #tpu.memory_space<hbm>> -> memref<64xi32, #tpu.memory_space<hbm>>
    tpu.wait_dma2 semaphore(%arg9 : memref<!tpu.dma_semaphore, #tpu.memory_space<semaphore_mem>>) src(%dma_wait3A_72 : memref<64xi32, #tpu.memory_space<hbm>>) dst(%dma_wait3A_70 : memref<64xi32, #tpu.memory_space<vmem>>)
    %dma_wait3A_73 = arith.constant 1 : i32
    %dma_wait3A_74 = arith.constant 1 : i32
    %dma_wait3A_75 = arith.constant 0 : i32
    %dma_wait3A_76 = tpu.memref_slice %arg6[%dma_wait3A_74, %dma_wait3A_75] : memref<4x64xi32, #tpu.memory_space<vmem>> -> memref<1x64xi32, #tpu.memory_space<vmem>>
    %dma_wait3A_77 = tpu.memref_squeeze %dma_wait3A_76 : memref<1x64xi32, #tpu.memory_space<vmem>> -> memref<64xi32, #tpu.memory_space<vmem>>
    %dma_wait3A_78 = tpu.memref_slice %arg2[%dma_wait3A_73, %mul3A_21] : memref<4x2048xi32, #tpu.memory_space<hbm>> -> memref<1x64xi32, #tpu.memory_space<hbm>>
    %dma_wait3A_79 = tpu.memref_squeeze %dma_wait3A_78 : memref<1x64xi32, #tpu.memory_space<hbm>> -> memref<64xi32, #tpu.memory_space<hbm>>
    %dma_wait3A_80 = arith.constant 0 : i32
    %dma_wait3A_81 = tpu.memref_slice %arg6[%dma_wait3A_74, %dma_wait3A_80] : memref<4x64xi32, #tpu.memory_space<vmem>> -> memref<1x64xi32, #tpu.memory_space<vmem>>
    %dma_wait3A_82 = tpu.memref_squeeze %dma_wait3A_81 : memref<1x64xi32, #tpu.memory_space<vmem>> -> memref<64xi32, #tpu.memory_space<vmem>>
    %dma_wait3A_83 = tpu.memref_slice %arg2[%dma_wait3A_73, %mul3A_21] : memref<4x2048xi32, #tpu.memory_space<hbm>> -> memref<1x64xi32, #tpu.memory_space<hbm>>
    %dma_wait3A_84 = tpu.memref_squeeze %dma_wait3A_83 : memref<1x64xi32, #tpu.memory_space<hbm>> -> memref<64xi32, #tpu.memory_space<hbm>>
    tpu.wait_dma2 semaphore(%arg9 : memref<!tpu.dma_semaphore, #tpu.memory_space<semaphore_mem>>) src(%dma_wait3A_84 : memref<64xi32, #tpu.memory_space<hbm>>) dst(%dma_wait3A_82 : memref<64xi32, #tpu.memory_space<vmem>>)
    %dma_wait3A_85 = arith.constant 2 : i32
    %dma_wait3A_86 = arith.constant 2 : i32
    %dma_wait3A_87 = arith.constant 0 : i32
    %dma_wait3A_88 = tpu.memref_slice %arg6[%dma_wait3A_86, %dma_wait3A_87] : memref<4x64xi32, #tpu.memory_space<vmem>> -> memref<1x64xi32, #tpu.memory_space<vmem>>
    %dma_wait3A_89 = tpu.memref_squeeze %dma_wait3A_88 : memref<1x64xi32, #tpu.memory_space<vmem>> -> memref<64xi32, #tpu.memory_space<vmem>>
    %dma_wait3A_90 = tpu.memref_slice %arg2[%dma_wait3A_85, %mul3A_35] : memref<4x2048xi32, #tpu.memory_space<hbm>> -> memref<1x64xi32, #tpu.memory_space<hbm>>
    %dma_wait3A_91 = tpu.memref_squeeze %dma_wait3A_90 : memref<1x64xi32, #tpu.memory_space<hbm>> -> memref<64xi32, #tpu.memory_space<hbm>>
    %dma_wait3A_92 = arith.constant 0 : i32
    %dma_wait3A_93 = tpu.memref_slice %arg6[%dma_wait3A_86, %dma_wait3A_92] : memref<4x64xi32, #tpu.memory_space<vmem>> -> memref<1x64xi32, #tpu.memory_space<vmem>>
    %dma_wait3A_94 = tpu.memref_squeeze %dma_wait3A_93 : memref<1x64xi32, #tpu.memory_space<vmem>> -> memref<64xi32, #tpu.memory_space<vmem>>
    %dma_wait3A_95 = tpu.memref_slice %arg2[%dma_wait3A_85, %mul3A_35] : memref<4x2048xi32, #tpu.memory_space<hbm>> -> memref<1x64xi32, #tpu.memory_space<hbm>>
    %dma_wait3A_96 = tpu.memref_squeeze %dma_wait3A_95 : memref<1x64xi32, #tpu.memory_space<hbm>> -> memref<64xi32, #tpu.memory_space<hbm>>
    tpu.wait_dma2 semaphore(%arg9 : memref<!tpu.dma_semaphore, #tpu.memory_space<semaphore_mem>>) src(%dma_wait3A_96 : memref<64xi32, #tpu.memory_space<hbm>>) dst(%dma_wait3A_94 : memref<64xi32, #tpu.memory_space<vmem>>)
    %dma_wait3A_97 = arith.constant 3 : i32
    %dma_wait3A_98 = arith.constant 3 : i32
    %dma_wait3A_99 = arith.constant 0 : i32
    %dma_wait3A_100 = tpu.memref_slice %arg6[%dma_wait3A_98, %dma_wait3A_99] : memref<4x64xi32, #tpu.memory_space<vmem>> -> memref<1x64xi32, #tpu.memory_space<vmem>>
    %dma_wait3A_101 = tpu.memref_squeeze %dma_wait3A_100 : memref<1x64xi32, #tpu.memory_space<vmem>> -> memref<64xi32, #tpu.memory_space<vmem>>
    %dma_wait3A_102 = tpu.memref_slice %arg2[%dma_wait3A_97, %mul3A_49] : memref<4x2048xi32, #tpu.memory_space<hbm>> -> memref<1x64xi32, #tpu.memory_space<hbm>>
    %dma_wait3A_103 = tpu.memref_squeeze %dma_wait3A_102 : memref<1x64xi32, #tpu.memory_space<hbm>> -> memref<64xi32, #tpu.memory_space<hbm>>
    %dma_wait3A_104 = arith.constant 0 : i32
    %dma_wait3A_105 = tpu.memref_slice %arg6[%dma_wait3A_98, %dma_wait3A_104] : memref<4x64xi32, #tpu.memory_space<vmem>> -> memref<1x64xi32, #tpu.memory_space<vmem>>
    %dma_wait3A_106 = tpu.memref_squeeze %dma_wait3A_105 : memref<1x64xi32, #tpu.memory_space<vmem>> -> memref<64xi32, #tpu.memory_space<vmem>>
    %dma_wait3A_107 = tpu.memref_slice %arg2[%dma_wait3A_97, %mul3A_49] : memref<4x2048xi32, #tpu.memory_space<hbm>> -> memref<1x64xi32, #tpu.memory_space<hbm>>
    %dma_wait3A_108 = tpu.memref_squeeze %dma_wait3A_107 : memref<1x64xi32, #tpu.memory_space<hbm>> -> memref<64xi32, #tpu.memory_space<hbm>>
    tpu.wait_dma2 semaphore(%arg9 : memref<!tpu.dma_semaphore, #tpu.memory_space<semaphore_mem>>) src(%dma_wait3A_108 : memref<64xi32, #tpu.memory_space<hbm>>) dst(%dma_wait3A_106 : memref<64xi32, #tpu.memory_space<vmem>>)
    %dma_start3A_109 = arith.constant 0 : i32
    %dma_start3A_110 = arith.constant 0 : i32
    %dma_start3A_111 = arith.constant 0 : i32
    %dma_start3A_112 = tpu.memref_slice %arg7[%dma_start3A_110, %dma_start3A_111] : memref<256x128xf32, #tpu.memory_space<vmem>> -> memref<64x128xf32, #tpu.memory_space<vmem>>
    %dma_start3A_113 = arith.constant 0 : i32
    %dma_start3A_114 = tpu.memref_slice %arg6[%dma_start3A_109, %dma_start3A_113] : memref<4x64xi32, #tpu.memory_space<vmem>> -> memref<1x64xi32, #tpu.memory_space<vmem>>
    %dma_start3A_115 = tpu.memref_squeeze %dma_start3A_114 : memref<1x64xi32, #tpu.memory_space<vmem>> -> memref<64xi32, #tpu.memory_space<vmem>>
    %dma_start3A_116 = arith.constant 0 : i32
    %dma_start3A_117 = arith.constant 0 : i32
    %dma_start3A_118 = tpu.memref_slice %arg3[%dma_start3A_116, %dma_start3A_117] : memref<1000000x128xf32, #tpu.memory_space<hbm>> -> memref<1000000x128xf32, #tpu.memory_space<hbm>>
    tpu.enqueue_indirect_dma source(%dma_start3A_118 : memref<1000000x128xf32, #tpu.memory_space<hbm>>) target(%dma_start3A_112 : memref<64x128xf32, #tpu.memory_space<vmem>>) offsets(%dma_start3A_115 : memref<64xi32, #tpu.memory_space<vmem>>) semaphore(%arg10 : memref<!tpu.dma_semaphore, #tpu.memory_space<semaphore_mem>>)
    %dma_start3A_119 = arith.constant 1 : i32
    %dma_start3A_120 = arith.constant 64 : i32
    %dma_start3A_121 = arith.constant 0 : i32
    %dma_start3A_122 = tpu.memref_slice %arg7[%dma_start3A_120, %dma_start3A_121] : memref<256x128xf32, #tpu.memory_space<vmem>> -> memref<64x128xf32, #tpu.memory_space<vmem>>
    %dma_start3A_123 = arith.constant 0 : i32
    %dma_start3A_124 = tpu.memref_slice %arg6[%dma_start3A_119, %dma_start3A_123] : memref<4x64xi32, #tpu.memory_space<vmem>> -> memref<1x64xi32, #tpu.memory_space<vmem>>
    %dma_start3A_125 = tpu.memref_squeeze %dma_start3A_124 : memref<1x64xi32, #tpu.memory_space<vmem>> -> memref<64xi32, #tpu.memory_space<vmem>>
    %dma_start3A_126 = arith.constant 0 : i32
    %dma_start3A_127 = arith.constant 0 : i32
    %dma_start3A_128 = tpu.memref_slice %arg3[%dma_start3A_126, %dma_start3A_127] : memref<1000000x128xf32, #tpu.memory_space<hbm>> -> memref<1000000x128xf32, #tpu.memory_space<hbm>>
    tpu.enqueue_indirect_dma source(%dma_start3A_128 : memref<1000000x128xf32, #tpu.memory_space<hbm>>) target(%dma_start3A_122 : memref<64x128xf32, #tpu.memory_space<vmem>>) offsets(%dma_start3A_125 : memref<64xi32, #tpu.memory_space<vmem>>) semaphore(%arg10 : memref<!tpu.dma_semaphore, #tpu.memory_space<semaphore_mem>>)
    %dma_start3A_129 = arith.constant 2 : i32
    %dma_start3A_130 = arith.constant 128 : i32
    %dma_start3A_131 = arith.constant 0 : i32
    %dma_start3A_132 = tpu.memref_slice %arg7[%dma_start3A_130, %dma_start3A_131] : memref<256x128xf32, #tpu.memory_space<vmem>> -> memref<64x128xf32, #tpu.memory_space<vmem>>
    %dma_start3A_133 = arith.constant 0 : i32
    %dma_start3A_134 = tpu.memref_slice %arg6[%dma_start3A_129, %dma_start3A_133] : memref<4x64xi32, #tpu.memory_space<vmem>> -> memref<1x64xi32, #tpu.memory_space<vmem>>
    %dma_start3A_135 = tpu.memref_squeeze %dma_start3A_134 : memref<1x64xi32, #tpu.memory_space<vmem>> -> memref<64xi32, #tpu.memory_space<vmem>>
    %dma_start3A_136 = arith.constant 0 : i32
    %dma_start3A_137 = arith.constant 0 : i32
    %dma_start3A_138 = tpu.memref_slice %arg3[%dma_start3A_136, %dma_start3A_137] : memref<1000000x128xf32, #tpu.memory_space<hbm>> -> memref<1000000x128xf32, #tpu.memory_space<hbm>>
    tpu.enqueue_indirect_dma source(%dma_start3A_138 : memref<1000000x128xf32, #tpu.memory_space<hbm>>) target(%dma_start3A_132 : memref<64x128xf32, #tpu.memory_space<vmem>>) offsets(%dma_start3A_135 : memref<64xi32, #tpu.memory_space<vmem>>) semaphore(%arg10 : memref<!tpu.dma_semaphore, #tpu.memory_space<semaphore_mem>>)
    %dma_start3A_139 = arith.constant 3 : i32
    %dma_start3A_140 = arith.constant 192 : i32
    %dma_start3A_141 = arith.constant 0 : i32
    %dma_start3A_142 = tpu.memref_slice %arg7[%dma_start3A_140, %dma_start3A_141] : memref<256x128xf32, #tpu.memory_space<vmem>> -> memref<64x128xf32, #tpu.memory_space<vmem>>
    %dma_start3A_143 = arith.constant 0 : i32
    %dma_start3A_144 = tpu.memref_slice %arg6[%dma_start3A_139, %dma_start3A_143] : memref<4x64xi32, #tpu.memory_space<vmem>> -> memref<1x64xi32, #tpu.memory_space<vmem>>
    %dma_start3A_145 = tpu.memref_squeeze %dma_start3A_144 : memref<1x64xi32, #tpu.memory_space<vmem>> -> memref<64xi32, #tpu.memory_space<vmem>>
    %dma_start3A_146 = arith.constant 0 : i32
    %dma_start3A_147 = arith.constant 0 : i32
    %dma_start3A_148 = tpu.memref_slice %arg3[%dma_start3A_146, %dma_start3A_147] : memref<1000000x128xf32, #tpu.memory_space<hbm>> -> memref<1000000x128xf32, #tpu.memory_space<hbm>>
    tpu.enqueue_indirect_dma source(%dma_start3A_148 : memref<1000000x128xf32, #tpu.memory_space<hbm>>) target(%dma_start3A_142 : memref<64x128xf32, #tpu.memory_space<vmem>>) offsets(%dma_start3A_145 : memref<64xi32, #tpu.memory_space<vmem>>) semaphore(%arg10 : memref<!tpu.dma_semaphore, #tpu.memory_space<semaphore_mem>>)
    %dma_wait3A_149 = arith.constant 0 : i32
    %dma_wait3A_150 = tpu.memref_slice %arg4[%mul3A_2, %dma_wait3A_149] : memref<2048x128xf32, #tpu.memory_space<hbm>> -> memref<64x128xf32, #tpu.memory_space<hbm>>
    %dma_wait3A_151 = arith.constant 0 : i32
    %dma_wait3A_152 = tpu.memref_slice %arg4[%mul3A_2, %dma_wait3A_151] : memref<2048x128xf32, #tpu.memory_space<hbm>> -> memref<64x128xf32, #tpu.memory_space<hbm>>
    tpu.wait_dma2 semaphore(%arg11 : memref<!tpu.dma_semaphore, #tpu.memory_space<semaphore_mem>>) src(%dma_wait3A_152 : memref<64x128xf32, #tpu.memory_space<hbm>>) dst(%arg8 : memref<64x128xf32, #tpu.memory_space<vmem>>)
    %dma_wait3A_153 = arith.constant 0 : i32
    %dma_wait3A_154 = arith.constant 0 : i32
    %dma_wait3A_155 = arith.constant 0 : i32
    %dma_wait3A_156 = tpu.memref_slice %arg7[%dma_wait3A_154, %dma_wait3A_155] : memref<256x128xf32, #tpu.memory_space<vmem>> -> memref<64x128xf32, #tpu.memory_space<vmem>>
    %dma_wait3A_157 = arith.constant 0 : i32
    %dma_wait3A_158 = tpu.memref_slice %arg6[%dma_wait3A_153, %dma_wait3A_157] : memref<4x64xi32, #tpu.memory_space<vmem>> -> memref<1x64xi32, #tpu.memory_space<vmem>>
    %dma_wait3A_159 = tpu.memref_squeeze %dma_wait3A_158 : memref<1x64xi32, #tpu.memory_space<vmem>> -> memref<64xi32, #tpu.memory_space<vmem>>
    %dma_wait3A_160 = arith.constant 0 : i32
    %dma_wait3A_161 = arith.constant 0 : i32
    %dma_wait3A_162 = tpu.memref_slice %arg3[%dma_wait3A_160, %dma_wait3A_161] : memref<1000000x128xf32, #tpu.memory_space<hbm>> -> memref<1000000x128xf32, #tpu.memory_space<hbm>>
    tpu.wait_indirect_dma semaphore(%arg10 : memref<!tpu.dma_semaphore, #tpu.memory_space<semaphore_mem>>) src(%dma_wait3A_162 : memref<1000000x128xf32, #tpu.memory_space<hbm>>) dst(%dma_wait3A_156 : memref<64x128xf32, #tpu.memory_space<vmem>>)
    %parallel_loop3A = arith.constant 0 : i32
    %parallel_loop3A_163 = arith.constant 64 : i32
    %parallel_loop3A_164 = arith.constant 1 : i32
    scf.for %parallel_loop3A_357 = %parallel_loop3A to %parallel_loop3A_163 step %parallel_loop3A_164  : i32 {
      %parallel_loop3A_358 = arith.constant 0 : i32
      %parallel_loop3A_359 = arith.addi %parallel_loop3A_358, %parallel_loop3A_357 : i32
      %parallel_loop3A_360 = arith.index_cast %parallel_loop3A_359 : i32 to index
      %parallel_loop3A_361 = arith.constant 0 : index
      %parallel_loop3A_362 = tpu.vector_load %arg7[%parallel_loop3A_360, %parallel_loop3A_361] {strides = array<i32>} : memref<256x128xf32, #tpu.memory_space<vmem>>, vector<1x16xf32>,
      %parallel_loop3A_363 = vector.shape_cast %parallel_loop3A_362 : vector<1x16xf32> to vector<16xf32>
      %parallel_loop3A_364 = arith.constant 11.3137083 : f32
      %parallel_loop3A_365 = vector.broadcast %parallel_loop3A_364 : f32 to vector<16xf32>
      %parallel_loop3A_366 = arith.mulf %parallel_loop3A_363, %parallel_loop3A_365 : vector<16xf32>
      %parallel_loop3A_367 = arith.index_cast %parallel_loop3A_357 : i32 to index
      %parallel_loop3A_368 = arith.constant 0 : index
      %parallel_loop3A_369 = tpu.vector_load %arg8[%parallel_loop3A_367, %parallel_loop3A_368] {strides = array<i32>} : memref<64x128xf32, #tpu.memory_space<vmem>>, vector<1x16xf32>,
      %parallel_loop3A_370 = vector.shape_cast %parallel_loop3A_369 : vector<1x16xf32> to vector<16xf32>
      %parallel_loop3A_371 = arith.addf %parallel_loop3A_366, %parallel_loop3A_370 : vector<16xf32>
      %parallel_loop3A_372 = arith.constant 0 : i32
      %parallel_loop3A_373 = arith.addi %parallel_loop3A_372, %parallel_loop3A_357 : i32
      %parallel_loop3A_374 = arith.index_cast %parallel_loop3A_373 : i32 to index
      %parallel_loop3A_375 = arith.constant 0 : index
      %parallel_loop3A_376 = tpu.vector_load %arg7[%parallel_loop3A_374, %parallel_loop3A_375] {strides = array<i32>} : memref<256x128xf32, #tpu.memory_space<vmem>>, vector<1x16xf32>,
      %parallel_loop3A_377 = vector.shape_cast %parallel_loop3A_376 : vector<1x16xf32> to vector<16xf32>
      %parallel_loop3A_378 = vector.shape_cast %parallel_loop3A_371 : vector<16xf32> to vector<1x16xf32>
      tpu.vector_store %arg7[%parallel_loop3A_374, %parallel_loop3A_375], %parallel_loop3A_378 {strides = array<i32>} : memref<256x128xf32, #tpu.memory_space<vmem>>, vector<1x16xf32>,
      %parallel_loop3A_379 = arith.constant 0 : i32
      %parallel_loop3A_380 = arith.addi %parallel_loop3A_379, %parallel_loop3A_357 : i32
      %parallel_loop3A_381 = arith.index_cast %parallel_loop3A_380 : i32 to index
      %parallel_loop3A_382 = arith.constant 16 : index
      %parallel_loop3A_383 = tpu.vector_load %arg7[%parallel_loop3A_381, %parallel_loop3A_382] {strides = array<i32>} : memref<256x128xf32, #tpu.memory_space<vmem>>, vector<1x16xf32>,
      %parallel_loop3A_384 = vector.shape_cast %parallel_loop3A_383 : vector<1x16xf32> to vector<16xf32>
      %parallel_loop3A_385 = arith.constant 11.3137083 : f32
      %parallel_loop3A_386 = vector.broadcast %parallel_loop3A_385 : f32 to vector<16xf32>
      %parallel_loop3A_387 = arith.mulf %parallel_loop3A_384, %parallel_loop3A_386 : vector<16xf32>
      %parallel_loop3A_388 = arith.index_cast %parallel_loop3A_357 : i32 to index
      %parallel_loop3A_389 = arith.constant 16 : index
      %parallel_loop3A_390 = tpu.vector_load %arg8[%parallel_loop3A_388, %parallel_loop3A_389] {strides = array<i32>} : memref<64x128xf32, #tpu.memory_space<vmem>>, vector<1x16xf32>,
      %parallel_loop3A_391 = vector.shape_cast %parallel_loop3A_390 : vector<1x16xf32> to vector<16xf32>
      %parallel_loop3A_392 = arith.addf %parallel_loop3A_387, %parallel_loop3A_391 : vector<16xf32>
      %parallel_loop3A_393 = arith.constant 0 : i32
      %parallel_loop3A_394 = arith.addi %parallel_loop3A_393, %parallel_loop3A_357 : i32
      %parallel_loop3A_395 = arith.index_cast %parallel_loop3A_394 : i32 to index
      %parallel_loop3A_396 = arith.constant 16 : index
      %parallel_loop3A_397 = tpu.vector_load %arg7[%parallel_loop3A_395, %parallel_loop3A_396] {strides = array<i32>} : memref<256x128xf32, #tpu.memory_space<vmem>>, vector<1x16xf32>,
      %parallel_loop3A_398 = vector.shape_cast %parallel_loop3A_397 : vector<1x16xf32> to vector<16xf32>
      %parallel_loop3A_399 = vector.shape_cast %parallel_loop3A_392 : vector<16xf32> to vector<1x16xf32>
      tpu.vector_store %arg7[%parallel_loop3A_395, %parallel_loop3A_396], %parallel_loop3A_399 {strides = array<i32>} : memref<256x128xf32, #tpu.memory_space<vmem>>, vector<1x16xf32>,
      %parallel_loop3A_400 = arith.constant 0 : i32
      %parallel_loop3A_401 = arith.addi %parallel_loop3A_400, %parallel_loop3A_357 : i32
      %parallel_loop3A_402 = arith.index_cast %parallel_loop3A_401 : i32 to index
      %parallel_loop3A_403 = arith.constant 32 : index
      %parallel_loop3A_404 = tpu.vector_load %arg7[%parallel_loop3A_402, %parallel_loop3A_403] {strides = array<i32>} : memref<256x128xf32, #tpu.memory_space<vmem>>, vector<1x16xf32>,
      %parallel_loop3A_405 = vector.shape_cast %parallel_loop3A_404 : vector<1x16xf32> to vector<16xf32>
      %parallel_loop3A_406 = arith.constant 11.3137083 : f32
      %parallel_loop3A_407 = vector.broadcast %parallel_loop3A_406 : f32 to vector<16xf32>
      %parallel_loop3A_408 = arith.mulf %parallel_loop3A_405, %parallel_loop3A_407 : vector<16xf32>
      %parallel_loop3A_409 = arith.index_cast %parallel_loop3A_357 : i32 to index
      %parallel_loop3A_410 = arith.constant 32 : index
      %parallel_loop3A_411 = tpu.vector_load %arg8[%parallel_loop3A_409, %parallel_loop3A_410] {strides = array<i32>} : memref<64x128xf32, #tpu.memory_space<vmem>>, vector<1x16xf32>,
      %parallel_loop3A_412 = vector.shape_cast %parallel_loop3A_411 : vector<1x16xf32> to vector<16xf32>
      %parallel_loop3A_413 = arith.addf %parallel_loop3A_408, %parallel_loop3A_412 : vector<16xf32>
      %parallel_loop3A_414 = arith.constant 0 : i32
      %parallel_loop3A_415 = arith.addi %parallel_loop3A_414, %parallel_loop3A_357 : i32
      %parallel_loop3A_416 = arith.index_cast %parallel_loop3A_415 : i32 to index
      %parallel_loop3A_417 = arith.constant 32 : index
      %parallel_loop3A_418 = tpu.vector_load %arg7[%parallel_loop3A_416, %parallel_loop3A_417] {strides = array<i32>} : memref<256x128xf32, #tpu.memory_space<vmem>>, vector<1x16xf32>,
      %parallel_loop3A_419 = vector.shape_cast %parallel_loop3A_418 : vector<1x16xf32> to vector<16xf32>
      %parallel_loop3A_420 = vector.shape_cast %parallel_loop3A_413 : vector<16xf32> to vector<1x16xf32>
      tpu.vector_store %arg7[%parallel_loop3A_416, %parallel_loop3A_417], %parallel_loop3A_420 {strides = array<i32>} : memref<256x128xf32, #tpu.memory_space<vmem>>, vector<1x16xf32>,
      %parallel_loop3A_421 = arith.constant 0 : i32
      %parallel_loop3A_422 = arith.addi %parallel_loop3A_421, %parallel_loop3A_357 : i32
      %parallel_loop3A_423 = arith.index_cast %parallel_loop3A_422 : i32 to index
      %parallel_loop3A_424 = arith.constant 48 : index
      %parallel_loop3A_425 = tpu.vector_load %arg7[%parallel_loop3A_423, %parallel_loop3A_424] {strides = array<i32>} : memref<256x128xf32, #tpu.memory_space<vmem>>, vector<1x16xf32>,
      %parallel_loop3A_426 = vector.shape_cast %parallel_loop3A_425 : vector<1x16xf32> to vector<16xf32>
      %parallel_loop3A_427 = arith.constant 11.3137083 : f32
      %parallel_loop3A_428 = vector.broadcast %parallel_loop3A_427 : f32 to vector<16xf32>
      %parallel_loop3A_429 = arith.mulf %parallel_loop3A_426, %parallel_loop3A_428 : vector<16xf32>
      %parallel_loop3A_430 = arith.index_cast %parallel_loop3A_357 : i32 to index
      %parallel_loop3A_431 = arith.constant 48 : index
      %parallel_loop3A_432 = tpu.vector_load %arg8[%parallel_loop3A_430, %parallel_loop3A_431] {strides = array<i32>} : memref<64x128xf32, #tpu.memory_space<vmem>>, vector<1x16xf32>,
      %parallel_loop3A_433 = vector.shape_cast %parallel_loop3A_432 : vector<1x16xf32> to vector<16xf32>
      %parallel_loop3A_434 = arith.addf %parallel_loop3A_429, %parallel_loop3A_433 : vector<16xf32>
      %parallel_loop3A_435 = arith.constant 0 : i32
      %parallel_loop3A_436 = arith.addi %parallel_loop3A_435, %parallel_loop3A_357 : i32
      %parallel_loop3A_437 = arith.index_cast %parallel_loop3A_436 : i32 to index
      %parallel_loop3A_438 = arith.constant 48 : index
      %parallel_loop3A_439 = tpu.vector_load %arg7[%parallel_loop3A_437, %parallel_loop3A_438] {strides = array<i32>} : memref<256x128xf32, #tpu.memory_space<vmem>>, vector<1x16xf32>,
      %parallel_loop3A_440 = vector.shape_cast %parallel_loop3A_439 : vector<1x16xf32> to vector<16xf32>
      %parallel_loop3A_441 = vector.shape_cast %parallel_loop3A_434 : vector<16xf32> to vector<1x16xf32>
      tpu.vector_store %arg7[%parallel_loop3A_437, %parallel_loop3A_438], %parallel_loop3A_441 {strides = array<i32>} : memref<256x128xf32, #tpu.memory_space<vmem>>, vector<1x16xf32>,
      %parallel_loop3A_442 = arith.constant 0 : i32
      %parallel_loop3A_443 = arith.addi %parallel_loop3A_442, %parallel_loop3A_357 : i32
      %parallel_loop3A_444 = arith.index_cast %parallel_loop3A_443 : i32 to index
      %parallel_loop3A_445 = arith.constant 64 : index
      %parallel_loop3A_446 = tpu.vector_load %arg7[%parallel_loop3A_444, %parallel_loop3A_445] {strides = array<i32>} : memref<256x128xf32, #tpu.memory_space<vmem>>, vector<1x16xf32>,
      %parallel_loop3A_447 = vector.shape_cast %parallel_loop3A_446 : vector<1x16xf32> to vector<16xf32>
      %parallel_loop3A_448 = arith.constant 11.3137083 : f32
      %parallel_loop3A_449 = vector.broadcast %parallel_loop3A_448 : f32 to vector<16xf32>
      %parallel_loop3A_450 = arith.mulf %parallel_loop3A_447, %parallel_loop3A_449 : vector<16xf32>
      %parallel_loop3A_451 = arith.index_cast %parallel_loop3A_357 : i32 to index
      %parallel_loop3A_452 = arith.constant 64 : index
      %parallel_loop3A_453 = tpu.vector_load %arg8[%parallel_loop3A_451, %parallel_loop3A_452] {strides = array<i32>} : memref<64x128xf32, #tpu.memory_space<vmem>>, vector<1x16xf32>,
      %parallel_loop3A_454 = vector.shape_cast %parallel_loop3A_453 : vector<1x16xf32> to vector<16xf32>
      %parallel_loop3A_455 = arith.addf %parallel_loop3A_450, %parallel_loop3A_454 : vector<16xf32>
      %parallel_loop3A_456 = arith.constant 0 : i32
      %parallel_loop3A_457 = arith.addi %parallel_loop3A_456, %parallel_loop3A_357 : i32
      %parallel_loop3A_458 = arith.index_cast %parallel_loop3A_457 : i32 to index
      %parallel_loop3A_459 = arith.constant 64 : index
      %parallel_loop3A_460 = tpu.vector_load %arg7[%parallel_loop3A_458, %parallel_loop3A_459] {strides = array<i32>} : memref<256x128xf32, #tpu.memory_space<vmem>>, vector<1x16xf32>,
      %parallel_loop3A_461 = vector.shape_cast %parallel_loop3A_460 : vector<1x16xf32> to vector<16xf32>
      %parallel_loop3A_462 = vector.shape_cast %parallel_loop3A_455 : vector<16xf32> to vector<1x16xf32>
      tpu.vector_store %arg7[%parallel_loop3A_458, %parallel_loop3A_459], %parallel_loop3A_462 {strides = array<i32>} : memref<256x128xf32, #tpu.memory_space<vmem>>, vector<1x16xf32>,
      %parallel_loop3A_463 = arith.constant 0 : i32
      %parallel_loop3A_464 = arith.addi %parallel_loop3A_463, %parallel_loop3A_357 : i32
      %parallel_loop3A_465 = arith.index_cast %parallel_loop3A_464 : i32 to index
      %parallel_loop3A_466 = arith.constant 80 : index
      %parallel_loop3A_467 = tpu.vector_load %arg7[%parallel_loop3A_465, %parallel_loop3A_466] {strides = array<i32>} : memref<256x128xf32, #tpu.memory_space<vmem>>, vector<1x16xf32>,
      %parallel_loop3A_468 = vector.shape_cast %parallel_loop3A_467 : vector<1x16xf32> to vector<16xf32>
      %parallel_loop3A_469 = arith.constant 11.3137083 : f32
      %parallel_loop3A_470 = vector.broadcast %parallel_loop3A_469 : f32 to vector<16xf32>
      %parallel_loop3A_471 = arith.mulf %parallel_loop3A_468, %parallel_loop3A_470 : vector<16xf32>
      %parallel_loop3A_472 = arith.index_cast %parallel_loop3A_357 : i32 to index
      %parallel_loop3A_473 = arith.constant 80 : index
      %parallel_loop3A_474 = tpu.vector_load %arg8[%parallel_loop3A_472, %parallel_loop3A_473] {strides = array<i32>} : memref<64x128xf32, #tpu.memory_space<vmem>>, vector<1x16xf32>,
      %parallel_loop3A_475 = vector.shape_cast %parallel_loop3A_474 : vector<1x16xf32> to vector<16xf32>
      %parallel_loop3A_476 = arith.addf %parallel_loop3A_471, %parallel_loop3A_475 : vector<16xf32>
      %parallel_loop3A_477 = arith.constant 0 : i32
      %parallel_loop3A_478 = arith.addi %parallel_loop3A_477, %parallel_loop3A_357 : i32
      %parallel_loop3A_479 = arith.index_cast %parallel_loop3A_478 : i32 to index
      %parallel_loop3A_480 = arith.constant 80 : index
      %parallel_loop3A_481 = tpu.vector_load %arg7[%parallel_loop3A_479, %parallel_loop3A_480] {strides = array<i32>} : memref<256x128xf32, #tpu.memory_space<vmem>>, vector<1x16xf32>,
      %parallel_loop3A_482 = vector.shape_cast %parallel_loop3A_481 : vector<1x16xf32> to vector<16xf32>
      %parallel_loop3A_483 = vector.shape_cast %parallel_loop3A_476 : vector<16xf32> to vector<1x16xf32>
      tpu.vector_store %arg7[%parallel_loop3A_479, %parallel_loop3A_480], %parallel_loop3A_483 {strides = array<i32>} : memref<256x128xf32, #tpu.memory_space<vmem>>, vector<1x16xf32>,
      %parallel_loop3A_484 = arith.constant 0 : i32
      %parallel_loop3A_485 = arith.addi %parallel_loop3A_484, %parallel_loop3A_357 : i32
      %parallel_loop3A_486 = arith.index_cast %parallel_loop3A_485 : i32 to index
      %parallel_loop3A_487 = arith.constant 96 : index
      %parallel_loop3A_488 = tpu.vector_load %arg7[%parallel_loop3A_486, %parallel_loop3A_487] {strides = array<i32>} : memref<256x128xf32, #tpu.memory_space<vmem>>, vector<1x16xf32>,
      %parallel_loop3A_489 = vector.shape_cast %parallel_loop3A_488 : vector<1x16xf32> to vector<16xf32>
      %parallel_loop3A_490 = arith.constant 11.3137083 : f32
      %parallel_loop3A_491 = vector.broadcast %parallel_loop3A_490 : f32 to vector<16xf32>
      %parallel_loop3A_492 = arith.mulf %parallel_loop3A_489, %parallel_loop3A_491 : vector<16xf32>
      %parallel_loop3A_493 = arith.index_cast %parallel_loop3A_357 : i32 to index
      %parallel_loop3A_494 = arith.constant 96 : index
      %parallel_loop3A_495 = tpu.vector_load %arg8[%parallel_loop3A_493, %parallel_loop3A_494] {strides = array<i32>} : memref<64x128xf32, #tpu.memory_space<vmem>>, vector<1x16xf32>,
      %parallel_loop3A_496 = vector.shape_cast %parallel_loop3A_495 : vector<1x16xf32> to vector<16xf32>
      %parallel_loop3A_497 = arith.addf %parallel_loop3A_492, %parallel_loop3A_496 : vector<16xf32>
      %parallel_loop3A_498 = arith.constant 0 : i32
      %parallel_loop3A_499 = arith.addi %parallel_loop3A_498, %parallel_loop3A_357 : i32
      %parallel_loop3A_500 = arith.index_cast %parallel_loop3A_499 : i32 to index
      %parallel_loop3A_501 = arith.constant 96 : index
      %parallel_loop3A_502 = tpu.vector_load %arg7[%parallel_loop3A_500, %parallel_loop3A_501] {strides = array<i32>} : memref<256x128xf32, #tpu.memory_space<vmem>>, vector<1x16xf32>,
      %parallel_loop3A_503 = vector.shape_cast %parallel_loop3A_502 : vector<1x16xf32> to vector<16xf32>
      %parallel_loop3A_504 = vector.shape_cast %parallel_loop3A_497 : vector<16xf32> to vector<1x16xf32>
      tpu.vector_store %arg7[%parallel_loop3A_500, %parallel_loop3A_501], %parallel_loop3A_504 {strides = array<i32>} : memref<256x128xf32, #tpu.memory_space<vmem>>, vector<1x16xf32>,
      %parallel_loop3A_505 = arith.constant 0 : i32
      %parallel_loop3A_506 = arith.addi %parallel_loop3A_505, %parallel_loop3A_357 : i32
      %parallel_loop3A_507 = arith.index_cast %parallel_loop3A_506 : i32 to index
      %parallel_loop3A_508 = arith.constant 112 : index
      %parallel_loop3A_509 = tpu.vector_load %arg7[%parallel_loop3A_507, %parallel_loop3A_508] {strides = array<i32>} : memref<256x128xf32, #tpu.memory_space<vmem>>, vector<1x16xf32>,
      %parallel_loop3A_510 = vector.shape_cast %parallel_loop3A_509 : vector<1x16xf32> to vector<16xf32>
      %parallel_loop3A_511 = arith.constant 11.3137083 : f32
      %parallel_loop3A_512 = vector.broadcast %parallel_loop3A_511 : f32 to vector<16xf32>
      %parallel_loop3A_513 = arith.mulf %parallel_loop3A_510, %parallel_loop3A_512 : vector<16xf32>
      %parallel_loop3A_514 = arith.index_cast %parallel_loop3A_357 : i32 to index
      %parallel_loop3A_515 = arith.constant 112 : index
      %parallel_loop3A_516 = tpu.vector_load %arg8[%parallel_loop3A_514, %parallel_loop3A_515] {strides = array<i32>} : memref<64x128xf32, #tpu.memory_space<vmem>>, vector<1x16xf32>,
      %parallel_loop3A_517 = vector.shape_cast %parallel_loop3A_516 : vector<1x16xf32> to vector<16xf32>
      %parallel_loop3A_518 = arith.addf %parallel_loop3A_513, %parallel_loop3A_517 : vector<16xf32>
      %parallel_loop3A_519 = arith.constant 0 : i32
      %parallel_loop3A_520 = arith.addi %parallel_loop3A_519, %parallel_loop3A_357 : i32
      %parallel_loop3A_521 = arith.index_cast %parallel_loop3A_520 : i32 to index
      %parallel_loop3A_522 = arith.constant 112 : index
      %parallel_loop3A_523 = tpu.vector_load %arg7[%parallel_loop3A_521, %parallel_loop3A_522] {strides = array<i32>} : memref<256x128xf32, #tpu.memory_space<vmem>>, vector<1x16xf32>,
      %parallel_loop3A_524 = vector.shape_cast %parallel_loop3A_523 : vector<1x16xf32> to vector<16xf32>
      %parallel_loop3A_525 = vector.shape_cast %parallel_loop3A_518 : vector<16xf32> to vector<1x16xf32>
      tpu.vector_store %arg7[%parallel_loop3A_521, %parallel_loop3A_522], %parallel_loop3A_525 {strides = array<i32>} : memref<256x128xf32, #tpu.memory_space<vmem>>, vector<1x16xf32>,
    } {sc.loop_unroll_factor = 1 : i64, sc.parallel_access}
    %mul3A_165 = arith.constant 64 : i32
    %mul3A_166 = arith.muli %add3A, %mul3A_165 : i32
    %add3A_167 = arith.constant 0 : i32
    %add3A_168 = arith.addi %mul3A_166, %add3A_167 : i32
    %dma_start3A_169 = arith.constant 0 : i32
    %dma_start3A_170 = arith.constant 0 : i32
    %dma_start3A_171 = arith.constant 0 : i32
    %dma_start3A_172 = tpu.memref_slice %arg7[%dma_start3A_170, %dma_start3A_171] : memref<256x128xf32, #tpu.memory_space<vmem>> -> memref<64x128xf32, #tpu.memory_space<vmem>>
    %dma_start3A_173 = arith.constant 0 : i32
    %dma_start3A_174 = tpu.memref_slice %arg5[%dma_start3A_169, %add3A_168, %dma_start3A_173] : memref<4x2048x128xf32, #tpu.memory_space<hbm>> -> memref<1x64x128xf32, #tpu.memory_space<hbm>>
    %dma_start3A_175 = tpu.memref_squeeze %dma_start3A_174 : memref<1x64x128xf32, #tpu.memory_space<hbm>> -> memref<64x128xf32, #tpu.memory_space<hbm>>
    %dma_start3A_176 = arith.constant 0 : i32
    %dma_start3A_177 = tpu.memref_slice %arg5[%dma_start3A_169, %add3A_168, %dma_start3A_176] : memref<4x2048x128xf32, #tpu.memory_space<hbm>> -> memref<1x64x128xf32, #tpu.memory_space<hbm>>
    %dma_start3A_178 = tpu.memref_squeeze %dma_start3A_177 : memref<1x64x128xf32, #tpu.memory_space<hbm>> -> memref<64x128xf32, #tpu.memory_space<hbm>>
    %dma_start3A_179 = arith.constant 0 : i32
    %dma_start3A_180 = arith.constant 0 : i32
    %dma_start3A_181 = tpu.memref_slice %arg7[%dma_start3A_179, %dma_start3A_180] : memref<256x128xf32, #tpu.memory_space<vmem>> -> memref<64x128xf32, #tpu.memory_space<vmem>>
    tpu.enqueue_dma source(%dma_start3A_181 : memref<64x128xf32, #tpu.memory_space<vmem>>) target(%dma_start3A_178 : memref<64x128xf32, #tpu.memory_space<hbm>>) target_semaphore(%arg12 : memref<!tpu.dma_semaphore, #tpu.memory_space<semaphore_mem>>)
    %dma_wait3A_182 = arith.constant 1 : i32
    %dma_wait3A_183 = arith.constant 64 : i32
    %dma_wait3A_184 = arith.constant 0 : i32
    %dma_wait3A_185 = tpu.memref_slice %arg7[%dma_wait3A_183, %dma_wait3A_184] : memref<256x128xf32, #tpu.memory_space<vmem>> -> memref<64x128xf32, #tpu.memory_space<vmem>>
    %dma_wait3A_186 = arith.constant 0 : i32
    %dma_wait3A_187 = tpu.memref_slice %arg6[%dma_wait3A_182, %dma_wait3A_186] : memref<4x64xi32, #tpu.memory_space<vmem>> -> memref<1x64xi32, #tpu.memory_space<vmem>>
    %dma_wait3A_188 = tpu.memref_squeeze %dma_wait3A_187 : memref<1x64xi32, #tpu.memory_space<vmem>> -> memref<64xi32, #tpu.memory_space<vmem>>
    %dma_wait3A_189 = arith.constant 0 : i32
    %dma_wait3A_190 = arith.constant 0 : i32
    %dma_wait3A_191 = tpu.memref_slice %arg3[%dma_wait3A_189, %dma_wait3A_190] : memref<1000000x128xf32, #tpu.memory_space<hbm>> -> memref<1000000x128xf32, #tpu.memory_space<hbm>>
    tpu.wait_indirect_dma semaphore(%arg10 : memref<!tpu.dma_semaphore, #tpu.memory_space<semaphore_mem>>) src(%dma_wait3A_191 : memref<1000000x128xf32, #tpu.memory_space<hbm>>) dst(%dma_wait3A_185 : memref<64x128xf32, #tpu.memory_space<vmem>>)
    %parallel_loop3A_192 = arith.constant 0 : i32
    %parallel_loop3A_193 = arith.constant 64 : i32
    %parallel_loop3A_194 = arith.constant 1 : i32
    scf.for %parallel_loop3A_357 = %parallel_loop3A_192 to %parallel_loop3A_193 step %parallel_loop3A_194  : i32 {
      %parallel_loop3A_358 = arith.constant 64 : i32
      %parallel_loop3A_359 = arith.addi %parallel_loop3A_358, %parallel_loop3A_357 : i32
      %parallel_loop3A_360 = arith.index_cast %parallel_loop3A_359 : i32 to index
      %parallel_loop3A_361 = arith.constant 0 : index
      %parallel_loop3A_362 = tpu.vector_load %arg7[%parallel_loop3A_360, %parallel_loop3A_361] {strides = array<i32>} : memref<256x128xf32, #tpu.memory_space<vmem>>, vector<1x16xf32>,
      %parallel_loop3A_363 = vector.shape_cast %parallel_loop3A_362 : vector<1x16xf32> to vector<16xf32>
      %parallel_loop3A_364 = arith.constant 11.3137083 : f32
      %parallel_loop3A_365 = vector.broadcast %parallel_loop3A_364 : f32 to vector<16xf32>
      %parallel_loop3A_366 = arith.mulf %parallel_loop3A_363, %parallel_loop3A_365 : vector<16xf32>
      %parallel_loop3A_367 = arith.index_cast %parallel_loop3A_357 : i32 to index
      %parallel_loop3A_368 = arith.constant 0 : index
      %parallel_loop3A_369 = tpu.vector_load %arg8[%parallel_loop3A_367, %parallel_loop3A_368] {strides = array<i32>} : memref<64x128xf32, #tpu.memory_space<vmem>>, vector<1x16xf32>,
      %parallel_loop3A_370 = vector.shape_cast %parallel_loop3A_369 : vector<1x16xf32> to vector<16xf32>
      %parallel_loop3A_371 = arith.addf %parallel_loop3A_366, %parallel_loop3A_370 : vector<16xf32>
      %parallel_loop3A_372 = arith.constant 64 : i32
      %parallel_loop3A_373 = arith.addi %parallel_loop3A_372, %parallel_loop3A_357 : i32
      %parallel_loop3A_374 = arith.index_cast %parallel_loop3A_373 : i32 to index
      %parallel_loop3A_375 = arith.constant 0 : index
      %parallel_loop3A_376 = tpu.vector_load %arg7[%parallel_loop3A_374, %parallel_loop3A_375] {strides = array<i32>} : memref<256x128xf32, #tpu.memory_space<vmem>>, vector<1x16xf32>,
      %parallel_loop3A_377 = vector.shape_cast %parallel_loop3A_376 : vector<1x16xf32> to vector<16xf32>
      %parallel_loop3A_378 = vector.shape_cast %parallel_loop3A_371 : vector<16xf32> to vector<1x16xf32>
      tpu.vector_store %arg7[%parallel_loop3A_374, %parallel_loop3A_375], %parallel_loop3A_378 {strides = array<i32>} : memref<256x128xf32, #tpu.memory_space<vmem>>, vector<1x16xf32>,
      %parallel_loop3A_379 = arith.constant 64 : i32
      %parallel_loop3A_380 = arith.addi %parallel_loop3A_379, %parallel_loop3A_357 : i32
      %parallel_loop3A_381 = arith.index_cast %parallel_loop3A_380 : i32 to index
      %parallel_loop3A_382 = arith.constant 16 : index
      %parallel_loop3A_383 = tpu.vector_load %arg7[%parallel_loop3A_381, %parallel_loop3A_382] {strides = array<i32>} : memref<256x128xf32, #tpu.memory_space<vmem>>, vector<1x16xf32>,
      %parallel_loop3A_384 = vector.shape_cast %parallel_loop3A_383 : vector<1x16xf32> to vector<16xf32>
      %parallel_loop3A_385 = arith.constant 11.3137083 : f32
      %parallel_loop3A_386 = vector.broadcast %parallel_loop3A_385 : f32 to vector<16xf32>
      %parallel_loop3A_387 = arith.mulf %parallel_loop3A_384, %parallel_loop3A_386 : vector<16xf32>
      %parallel_loop3A_388 = arith.index_cast %parallel_loop3A_357 : i32 to index
      %parallel_loop3A_389 = arith.constant 16 : index
      %parallel_loop3A_390 = tpu.vector_load %arg8[%parallel_loop3A_388, %parallel_loop3A_389] {strides = array<i32>} : memref<64x128xf32, #tpu.memory_space<vmem>>, vector<1x16xf32>,
      %parallel_loop3A_391 = vector.shape_cast %parallel_loop3A_390 : vector<1x16xf32> to vector<16xf32>
      %parallel_loop3A_392 = arith.addf %parallel_loop3A_387, %parallel_loop3A_391 : vector<16xf32>
      %parallel_loop3A_393 = arith.constant 64 : i32
      %parallel_loop3A_394 = arith.addi %parallel_loop3A_393, %parallel_loop3A_357 : i32
      %parallel_loop3A_395 = arith.index_cast %parallel_loop3A_394 : i32 to index
      %parallel_loop3A_396 = arith.constant 16 : index
      %parallel_loop3A_397 = tpu.vector_load %arg7[%parallel_loop3A_395, %parallel_loop3A_396] {strides = array<i32>} : memref<256x128xf32, #tpu.memory_space<vmem>>, vector<1x16xf32>,
      %parallel_loop3A_398 = vector.shape_cast %parallel_loop3A_397 : vector<1x16xf32> to vector<16xf32>
      %parallel_loop3A_399 = vector.shape_cast %parallel_loop3A_392 : vector<16xf32> to vector<1x16xf32>
      tpu.vector_store %arg7[%parallel_loop3A_395, %parallel_loop3A_396], %parallel_loop3A_399 {strides = array<i32>} : memref<256x128xf32, #tpu.memory_space<vmem>>, vector<1x16xf32>,
      %parallel_loop3A_400 = arith.constant 64 : i32
      %parallel_loop3A_401 = arith.addi %parallel_loop3A_400, %parallel_loop3A_357 : i32
      %parallel_loop3A_402 = arith.index_cast %parallel_loop3A_401 : i32 to index
      %parallel_loop3A_403 = arith.constant 32 : index
      %parallel_loop3A_404 = tpu.vector_load %arg7[%parallel_loop3A_402, %parallel_loop3A_403] {strides = array<i32>} : memref<256x128xf32, #tpu.memory_space<vmem>>, vector<1x16xf32>,
      %parallel_loop3A_405 = vector.shape_cast %parallel_loop3A_404 : vector<1x16xf32> to vector<16xf32>
      %parallel_loop3A_406 = arith.constant 11.3137083 : f32
      %parallel_loop3A_407 = vector.broadcast %parallel_loop3A_406 : f32 to vector<16xf32>
      %parallel_loop3A_408 = arith.mulf %parallel_loop3A_405, %parallel_loop3A_407 : vector<16xf32>
      %parallel_loop3A_409 = arith.index_cast %parallel_loop3A_357 : i32 to index
      %parallel_loop3A_410 = arith.constant 32 : index
      %parallel_loop3A_411 = tpu.vector_load %arg8[%parallel_loop3A_409, %parallel_loop3A_410] {strides = array<i32>} : memref<64x128xf32, #tpu.memory_space<vmem>>, vector<1x16xf32>,
      %parallel_loop3A_412 = vector.shape_cast %parallel_loop3A_411 : vector<1x16xf32> to vector<16xf32>
      %parallel_loop3A_413 = arith.addf %parallel_loop3A_408, %parallel_loop3A_412 : vector<16xf32>
      %parallel_loop3A_414 = arith.constant 64 : i32
      %parallel_loop3A_415 = arith.addi %parallel_loop3A_414, %parallel_loop3A_357 : i32
      %parallel_loop3A_416 = arith.index_cast %parallel_loop3A_415 : i32 to index
      %parallel_loop3A_417 = arith.constant 32 : index
      %parallel_loop3A_418 = tpu.vector_load %arg7[%parallel_loop3A_416, %parallel_loop3A_417] {strides = array<i32>} : memref<256x128xf32, #tpu.memory_space<vmem>>, vector<1x16xf32>,
      %parallel_loop3A_419 = vector.shape_cast %parallel_loop3A_418 : vector<1x16xf32> to vector<16xf32>
      %parallel_loop3A_420 = vector.shape_cast %parallel_loop3A_413 : vector<16xf32> to vector<1x16xf32>
      tpu.vector_store %arg7[%parallel_loop3A_416, %parallel_loop3A_417], %parallel_loop3A_420 {strides = array<i32>} : memref<256x128xf32, #tpu.memory_space<vmem>>, vector<1x16xf32>,
      %parallel_loop3A_421 = arith.constant 64 : i32
      %parallel_loop3A_422 = arith.addi %parallel_loop3A_421, %parallel_loop3A_357 : i32
      %parallel_loop3A_423 = arith.index_cast %parallel_loop3A_422 : i32 to index
      %parallel_loop3A_424 = arith.constant 48 : index
      %parallel_loop3A_425 = tpu.vector_load %arg7[%parallel_loop3A_423, %parallel_loop3A_424] {strides = array<i32>} : memref<256x128xf32, #tpu.memory_space<vmem>>, vector<1x16xf32>,
      %parallel_loop3A_426 = vector.shape_cast %parallel_loop3A_425 : vector<1x16xf32> to vector<16xf32>
      %parallel_loop3A_427 = arith.constant 11.3137083 : f32
      %parallel_loop3A_428 = vector.broadcast %parallel_loop3A_427 : f32 to vector<16xf32>
      %parallel_loop3A_429 = arith.mulf %parallel_loop3A_426, %parallel_loop3A_428 : vector<16xf32>
      %parallel_loop3A_430 = arith.index_cast %parallel_loop3A_357 : i32 to index
      %parallel_loop3A_431 = arith.constant 48 : index
      %parallel_loop3A_432 = tpu.vector_load %arg8[%parallel_loop3A_430, %parallel_loop3A_431] {strides = array<i32>} : memref<64x128xf32, #tpu.memory_space<vmem>>, vector<1x16xf32>,
      %parallel_loop3A_433 = vector.shape_cast %parallel_loop3A_432 : vector<1x16xf32> to vector<16xf32>
      %parallel_loop3A_434 = arith.addf %parallel_loop3A_429, %parallel_loop3A_433 : vector<16xf32>
      %parallel_loop3A_435 = arith.constant 64 : i32
      %parallel_loop3A_436 = arith.addi %parallel_loop3A_435, %parallel_loop3A_357 : i32
      %parallel_loop3A_437 = arith.index_cast %parallel_loop3A_436 : i32 to index
      %parallel_loop3A_438 = arith.constant 48 : index
      %parallel_loop3A_439 = tpu.vector_load %arg7[%parallel_loop3A_437, %parallel_loop3A_438] {strides = array<i32>} : memref<256x128xf32, #tpu.memory_space<vmem>>, vector<1x16xf32>,
      %parallel_loop3A_440 = vector.shape_cast %parallel_loop3A_439 : vector<1x16xf32> to vector<16xf32>
      %parallel_loop3A_441 = vector.shape_cast %parallel_loop3A_434 : vector<16xf32> to vector<1x16xf32>
      tpu.vector_store %arg7[%parallel_loop3A_437, %parallel_loop3A_438], %parallel_loop3A_441 {strides = array<i32>} : memref<256x128xf32, #tpu.memory_space<vmem>>, vector<1x16xf32>,
      %parallel_loop3A_442 = arith.constant 64 : i32
      %parallel_loop3A_443 = arith.addi %parallel_loop3A_442, %parallel_loop3A_357 : i32
      %parallel_loop3A_444 = arith.index_cast %parallel_loop3A_443 : i32 to index
      %parallel_loop3A_445 = arith.constant 64 : index
      %parallel_loop3A_446 = tpu.vector_load %arg7[%parallel_loop3A_444, %parallel_loop3A_445] {strides = array<i32>} : memref<256x128xf32, #tpu.memory_space<vmem>>, vector<1x16xf32>,
      %parallel_loop3A_447 = vector.shape_cast %parallel_loop3A_446 : vector<1x16xf32> to vector<16xf32>
      %parallel_loop3A_448 = arith.constant 11.3137083 : f32
      %parallel_loop3A_449 = vector.broadcast %parallel_loop3A_448 : f32 to vector<16xf32>
      %parallel_loop3A_450 = arith.mulf %parallel_loop3A_447, %parallel_loop3A_449 : vector<16xf32>
      %parallel_loop3A_451 = arith.index_cast %parallel_loop3A_357 : i32 to index
      %parallel_loop3A_452 = arith.constant 64 : index
      %parallel_loop3A_453 = tpu.vector_load %arg8[%parallel_loop3A_451, %parallel_loop3A_452] {strides = array<i32>} : memref<64x128xf32, #tpu.memory_space<vmem>>, vector<1x16xf32>,
      %parallel_loop3A_454 = vector.shape_cast %parallel_loop3A_453 : vector<1x16xf32> to vector<16xf32>
      %parallel_loop3A_455 = arith.addf %parallel_loop3A_450, %parallel_loop3A_454 : vector<16xf32>
      %parallel_loop3A_456 = arith.constant 64 : i32
      %parallel_loop3A_457 = arith.addi %parallel_loop3A_456, %parallel_loop3A_357 : i32
      %parallel_loop3A_458 = arith.index_cast %parallel_loop3A_457 : i32 to index
      %parallel_loop3A_459 = arith.constant 64 : index
      %parallel_loop3A_460 = tpu.vector_load %arg7[%parallel_loop3A_458, %parallel_loop3A_459] {strides = array<i32>} : memref<256x128xf32, #tpu.memory_space<vmem>>, vector<1x16xf32>,
      %parallel_loop3A_461 = vector.shape_cast %parallel_loop3A_460 : vector<1x16xf32> to vector<16xf32>
      %parallel_loop3A_462 = vector.shape_cast %parallel_loop3A_455 : vector<16xf32> to vector<1x16xf32>
      tpu.vector_store %arg7[%parallel_loop3A_458, %parallel_loop3A_459], %parallel_loop3A_462 {strides = array<i32>} : memref<256x128xf32, #tpu.memory_space<vmem>>, vector<1x16xf32>,
      %parallel_loop3A_463 = arith.constant 64 : i32
      %parallel_loop3A_464 = arith.addi %parallel_loop3A_463, %parallel_loop3A_357 : i32
      %parallel_loop3A_465 = arith.index_cast %parallel_loop3A_464 : i32 to index
      %parallel_loop3A_466 = arith.constant 80 : index
      %parallel_loop3A_467 = tpu.vector_load %arg7[%parallel_loop3A_465, %parallel_loop3A_466] {strides = array<i32>} : memref<256x128xf32, #tpu.memory_space<vmem>>, vector<1x16xf32>,
      %parallel_loop3A_468 = vector.shape_cast %parallel_loop3A_467 : vector<1x16xf32> to vector<16xf32>
      %parallel_loop3A_469 = arith.constant 11.3137083 : f32
      %parallel_loop3A_470 = vector.broadcast %parallel_loop3A_469 : f32 to vector<16xf32>
      %parallel_loop3A_471 = arith.mulf %parallel_loop3A_468, %parallel_loop3A_470 : vector<16xf32>
      %parallel_loop3A_472 = arith.index_cast %parallel_loop3A_357 : i32 to index
      %parallel_loop3A_473 = arith.constant 80 : index
      %parallel_loop3A_474 = tpu.vector_load %arg8[%parallel_loop3A_472, %parallel_loop3A_473] {strides = array<i32>} : memref<64x128xf32, #tpu.memory_space<vmem>>, vector<1x16xf32>,
      %parallel_loop3A_475 = vector.shape_cast %parallel_loop3A_474 : vector<1x16xf32> to vector<16xf32>
      %parallel_loop3A_476 = arith.addf %parallel_loop3A_471, %parallel_loop3A_475 : vector<16xf32>
      %parallel_loop3A_477 = arith.constant 64 : i32
      %parallel_loop3A_478 = arith.addi %parallel_loop3A_477, %parallel_loop3A_357 : i32
      %parallel_loop3A_479 = arith.index_cast %parallel_loop3A_478 : i32 to index
      %parallel_loop3A_480 = arith.constant 80 : index
      %parallel_loop3A_481 = tpu.vector_load %arg7[%parallel_loop3A_479, %parallel_loop3A_480] {strides = array<i32>} : memref<256x128xf32, #tpu.memory_space<vmem>>, vector<1x16xf32>,
      %parallel_loop3A_482 = vector.shape_cast %parallel_loop3A_481 : vector<1x16xf32> to vector<16xf32>
      %parallel_loop3A_483 = vector.shape_cast %parallel_loop3A_476 : vector<16xf32> to vector<1x16xf32>
      tpu.vector_store %arg7[%parallel_loop3A_479, %parallel_loop3A_480], %parallel_loop3A_483 {strides = array<i32>} : memref<256x128xf32, #tpu.memory_space<vmem>>, vector<1x16xf32>,
      %parallel_loop3A_484 = arith.constant 64 : i32
      %parallel_loop3A_485 = arith.addi %parallel_loop3A_484, %parallel_loop3A_357 : i32
      %parallel_loop3A_486 = arith.index_cast %parallel_loop3A_485 : i32 to index
      %parallel_loop3A_487 = arith.constant 96 : index
      %parallel_loop3A_488 = tpu.vector_load %arg7[%parallel_loop3A_486, %parallel_loop3A_487] {strides = array<i32>} : memref<256x128xf32, #tpu.memory_space<vmem>>, vector<1x16xf32>,
      %parallel_loop3A_489 = vector.shape_cast %parallel_loop3A_488 : vector<1x16xf32> to vector<16xf32>
      %parallel_loop3A_490 = arith.constant 11.3137083 : f32
      %parallel_loop3A_491 = vector.broadcast %parallel_loop3A_490 : f32 to vector<16xf32>
      %parallel_loop3A_492 = arith.mulf %parallel_loop3A_489, %parallel_loop3A_491 : vector<16xf32>
      %parallel_loop3A_493 = arith.index_cast %parallel_loop3A_357 : i32 to index
      %parallel_loop3A_494 = arith.constant 96 : index
      %parallel_loop3A_495 = tpu.vector_load %arg8[%parallel_loop3A_493, %parallel_loop3A_494] {strides = array<i32>} : memref<64x128xf32, #tpu.memory_space<vmem>>, vector<1x16xf32>,
      %parallel_loop3A_496 = vector.shape_cast %parallel_loop3A_495 : vector<1x16xf32> to vector<16xf32>
      %parallel_loop3A_497 = arith.addf %parallel_loop3A_492, %parallel_loop3A_496 : vector<16xf32>
      %parallel_loop3A_498 = arith.constant 64 : i32
      %parallel_loop3A_499 = arith.addi %parallel_loop3A_498, %parallel_loop3A_357 : i32
      %parallel_loop3A_500 = arith.index_cast %parallel_loop3A_499 : i32 to index
      %parallel_loop3A_501 = arith.constant 96 : index
      %parallel_loop3A_502 = tpu.vector_load %arg7[%parallel_loop3A_500, %parallel_loop3A_501] {strides = array<i32>} : memref<256x128xf32, #tpu.memory_space<vmem>>, vector<1x16xf32>,
      %parallel_loop3A_503 = vector.shape_cast %parallel_loop3A_502 : vector<1x16xf32> to vector<16xf32>
      %parallel_loop3A_504 = vector.shape_cast %parallel_loop3A_497 : vector<16xf32> to vector<1x16xf32>
      tpu.vector_store %arg7[%parallel_loop3A_500, %parallel_loop3A_501], %parallel_loop3A_504 {strides = array<i32>} : memref<256x128xf32, #tpu.memory_space<vmem>>, vector<1x16xf32>,
      %parallel_loop3A_505 = arith.constant 64 : i32
      %parallel_loop3A_506 = arith.addi %parallel_loop3A_505, %parallel_loop3A_357 : i32
      %parallel_loop3A_507 = arith.index_cast %parallel_loop3A_506 : i32 to index
      %parallel_loop3A_508 = arith.constant 112 : index
      %parallel_loop3A_509 = tpu.vector_load %arg7[%parallel_loop3A_507, %parallel_loop3A_508] {strides = array<i32>} : memref<256x128xf32, #tpu.memory_space<vmem>>, vector<1x16xf32>,
      %parallel_loop3A_510 = vector.shape_cast %parallel_loop3A_509 : vector<1x16xf32> to vector<16xf32>
      %parallel_loop3A_511 = arith.constant 11.3137083 : f32
      %parallel_loop3A_512 = vector.broadcast %parallel_loop3A_511 : f32 to vector<16xf32>
      %parallel_loop3A_513 = arith.mulf %parallel_loop3A_510, %parallel_loop3A_512 : vector<16xf32>
      %parallel_loop3A_514 = arith.index_cast %parallel_loop3A_357 : i32 to index
      %parallel_loop3A_515 = arith.constant 112 : index
      %parallel_loop3A_516 = tpu.vector_load %arg8[%parallel_loop3A_514, %parallel_loop3A_515] {strides = array<i32>} : memref<64x128xf32, #tpu.memory_space<vmem>>, vector<1x16xf32>,
      %parallel_loop3A_517 = vector.shape_cast %parallel_loop3A_516 : vector<1x16xf32> to vector<16xf32>
      %parallel_loop3A_518 = arith.addf %parallel_loop3A_513, %parallel_loop3A_517 : vector<16xf32>
      %parallel_loop3A_519 = arith.constant 64 : i32
      %parallel_loop3A_520 = arith.addi %parallel_loop3A_519, %parallel_loop3A_357 : i32
      %parallel_loop3A_521 = arith.index_cast %parallel_loop3A_520 : i32 to index
      %parallel_loop3A_522 = arith.constant 112 : index
      %parallel_loop3A_523 = tpu.vector_load %arg7[%parallel_loop3A_521, %parallel_loop3A_522] {strides = array<i32>} : memref<256x128xf32, #tpu.memory_space<vmem>>, vector<1x16xf32>,
      %parallel_loop3A_524 = vector.shape_cast %parallel_loop3A_523 : vector<1x16xf32> to vector<16xf32>
      %parallel_loop3A_525 = vector.shape_cast %parallel_loop3A_518 : vector<16xf32> to vector<1x16xf32>
      tpu.vector_store %arg7[%parallel_loop3A_521, %parallel_loop3A_522], %parallel_loop3A_525 {strides = array<i32>} : memref<256x128xf32, #tpu.memory_space<vmem>>, vector<1x16xf32>,
    } {sc.loop_unroll_factor = 1 : i64, sc.parallel_access}
    %mul3A_195 = arith.constant 64 : i32
    %mul3A_196 = arith.muli %add3A, %mul3A_195 : i32
    %add3A_197 = arith.constant 0 : i32
    %add3A_198 = arith.addi %mul3A_196, %add3A_197 : i32
    %dma_start3A_199 = arith.constant 1 : i32
    %dma_start3A_200 = arith.constant 64 : i32
    %dma_start3A_201 = arith.constant 0 : i32
    %dma_start3A_202 = tpu.memref_slice %arg7[%dma_start3A_200, %dma_start3A_201] : memref<256x128xf32, #tpu.memory_space<vmem>> -> memref<64x128xf32, #tpu.memory_space<vmem>>
    %dma_start3A_203 = arith.constant 0 : i32
    %dma_start3A_204 = tpu.memref_slice %arg5[%dma_start3A_199, %add3A_198, %dma_start3A_203] : memref<4x2048x128xf32, #tpu.memory_space<hbm>> -> memref<1x64x128xf32, #tpu.memory_space<hbm>>
    %dma_start3A_205 = tpu.memref_squeeze %dma_start3A_204 : memref<1x64x128xf32, #tpu.memory_space<hbm>> -> memref<64x128xf32, #tpu.memory_space<hbm>>
    %dma_start3A_206 = arith.constant 0 : i32
    %dma_start3A_207 = tpu.memref_slice %arg5[%dma_start3A_199, %add3A_198, %dma_start3A_206] : memref<4x2048x128xf32, #tpu.memory_space<hbm>> -> memref<1x64x128xf32, #tpu.memory_space<hbm>>
    %dma_start3A_208 = tpu.memref_squeeze %dma_start3A_207 : memref<1x64x128xf32, #tpu.memory_space<hbm>> -> memref<64x128xf32, #tpu.memory_space<hbm>>
    %dma_start3A_209 = arith.constant 64 : i32
    %dma_start3A_210 = arith.constant 0 : i32
    %dma_start3A_211 = tpu.memref_slice %arg7[%dma_start3A_209, %dma_start3A_210] : memref<256x128xf32, #tpu.memory_space<vmem>> -> memref<64x128xf32, #tpu.memory_space<vmem>>
    tpu.enqueue_dma source(%dma_start3A_211 : memref<64x128xf32, #tpu.memory_space<vmem>>) target(%dma_start3A_208 : memref<64x128xf32, #tpu.memory_space<hbm>>) target_semaphore(%arg12 : memref<!tpu.dma_semaphore, #tpu.memory_space<semaphore_mem>>)
    %dma_wait3A_212 = arith.constant 2 : i32
    %dma_wait3A_213 = arith.constant 128 : i32
    %dma_wait3A_214 = arith.constant 0 : i32
    %dma_wait3A_215 = tpu.memref_slice %arg7[%dma_wait3A_213, %dma_wait3A_214] : memref<256x128xf32, #tpu.memory_space<vmem>> -> memref<64x128xf32, #tpu.memory_space<vmem>>
    %dma_wait3A_216 = arith.constant 0 : i32
    %dma_wait3A_217 = tpu.memref_slice %arg6[%dma_wait3A_212, %dma_wait3A_216] : memref<4x64xi32, #tpu.memory_space<vmem>> -> memref<1x64xi32, #tpu.memory_space<vmem>>
    %dma_wait3A_218 = tpu.memref_squeeze %dma_wait3A_217 : memref<1x64xi32, #tpu.memory_space<vmem>> -> memref<64xi32, #tpu.memory_space<vmem>>
    %dma_wait3A_219 = arith.constant 0 : i32
    %dma_wait3A_220 = arith.constant 0 : i32
    %dma_wait3A_221 = tpu.memref_slice %arg3[%dma_wait3A_219, %dma_wait3A_220] : memref<1000000x128xf32, #tpu.memory_space<hbm>> -> memref<1000000x128xf32, #tpu.memory_space<hbm>>
    tpu.wait_indirect_dma semaphore(%arg10 : memref<!tpu.dma_semaphore, #tpu.memory_space<semaphore_mem>>) src(%dma_wait3A_221 : memref<1000000x128xf32, #tpu.memory_space<hbm>>) dst(%dma_wait3A_215 : memref<64x128xf32, #tpu.memory_space<vmem>>)
    %parallel_loop3A_222 = arith.constant 0 : i32
    %parallel_loop3A_223 = arith.constant 64 : i32
    %parallel_loop3A_224 = arith.constant 1 : i32
    scf.for %parallel_loop3A_357 = %parallel_loop3A_222 to %parallel_loop3A_223 step %parallel_loop3A_224  : i32 {
      %parallel_loop3A_358 = arith.constant 128 : i32
      %parallel_loop3A_359 = arith.addi %parallel_loop3A_358, %parallel_loop3A_357 : i32
      %parallel_loop3A_360 = arith.index_cast %parallel_loop3A_359 : i32 to index
      %parallel_loop3A_361 = arith.constant 0 : index
      %parallel_loop3A_362 = tpu.vector_load %arg7[%parallel_loop3A_360, %parallel_loop3A_361] {strides = array<i32>} : memref<256x128xf32, #tpu.memory_space<vmem>>, vector<1x16xf32>,
      %parallel_loop3A_363 = vector.shape_cast %parallel_loop3A_362 : vector<1x16xf32> to vector<16xf32>
      %parallel_loop3A_364 = arith.constant 11.3137083 : f32
      %parallel_loop3A_365 = vector.broadcast %parallel_loop3A_364 : f32 to vector<16xf32>
      %parallel_loop3A_366 = arith.mulf %parallel_loop3A_363, %parallel_loop3A_365 : vector<16xf32>
      %parallel_loop3A_367 = arith.index_cast %parallel_loop3A_357 : i32 to index
      %parallel_loop3A_368 = arith.constant 0 : index
      %parallel_loop3A_369 = tpu.vector_load %arg8[%parallel_loop3A_367, %parallel_loop3A_368] {strides = array<i32>} : memref<64x128xf32, #tpu.memory_space<vmem>>, vector<1x16xf32>,
      %parallel_loop3A_370 = vector.shape_cast %parallel_loop3A_369 : vector<1x16xf32> to vector<16xf32>
      %parallel_loop3A_371 = arith.addf %parallel_loop3A_366, %parallel_loop3A_370 : vector<16xf32>
      %parallel_loop3A_372 = arith.constant 128 : i32
      %parallel_loop3A_373 = arith.addi %parallel_loop3A_372, %parallel_loop3A_357 : i32
      %parallel_loop3A_374 = arith.index_cast %parallel_loop3A_373 : i32 to index
      %parallel_loop3A_375 = arith.constant 0 : index
      %parallel_loop3A_376 = tpu.vector_load %arg7[%parallel_loop3A_374, %parallel_loop3A_375] {strides = array<i32>} : memref<256x128xf32, #tpu.memory_space<vmem>>, vector<1x16xf32>,
      %parallel_loop3A_377 = vector.shape_cast %parallel_loop3A_376 : vector<1x16xf32> to vector<16xf32>
      %parallel_loop3A_378 = vector.shape_cast %parallel_loop3A_371 : vector<16xf32> to vector<1x16xf32>
      tpu.vector_store %arg7[%parallel_loop3A_374, %parallel_loop3A_375], %parallel_loop3A_378 {strides = array<i32>} : memref<256x128xf32, #tpu.memory_space<vmem>>, vector<1x16xf32>,
      %parallel_loop3A_379 = arith.constant 128 : i32
      %parallel_loop3A_380 = arith.addi %parallel_loop3A_379, %parallel_loop3A_357 : i32
      %parallel_loop3A_381 = arith.index_cast %parallel_loop3A_380 : i32 to index
      %parallel_loop3A_382 = arith.constant 16 : index
      %parallel_loop3A_383 = tpu.vector_load %arg7[%parallel_loop3A_381, %parallel_loop3A_382] {strides = array<i32>} : memref<256x128xf32, #tpu.memory_space<vmem>>, vector<1x16xf32>,
      %parallel_loop3A_384 = vector.shape_cast %parallel_loop3A_383 : vector<1x16xf32> to vector<16xf32>
      %parallel_loop3A_385 = arith.constant 11.3137083 : f32
      %parallel_loop3A_386 = vector.broadcast %parallel_loop3A_385 : f32 to vector<16xf32>
      %parallel_loop3A_387 = arith.mulf %parallel_loop3A_384, %parallel_loop3A_386 : vector<16xf32>
      %parallel_loop3A_388 = arith.index_cast %parallel_loop3A_357 : i32 to index
      %parallel_loop3A_389 = arith.constant 16 : index
      %parallel_loop3A_390 = tpu.vector_load %arg8[%parallel_loop3A_388, %parallel_loop3A_389] {strides = array<i32>} : memref<64x128xf32, #tpu.memory_space<vmem>>, vector<1x16xf32>,
      %parallel_loop3A_391 = vector.shape_cast %parallel_loop3A_390 : vector<1x16xf32> to vector<16xf32>
      %parallel_loop3A_392 = arith.addf %parallel_loop3A_387, %parallel_loop3A_391 : vector<16xf32>
      %parallel_loop3A_393 = arith.constant 128 : i32
      %parallel_loop3A_394 = arith.addi %parallel_loop3A_393, %parallel_loop3A_357 : i32
      %parallel_loop3A_395 = arith.index_cast %parallel_loop3A_394 : i32 to index
      %parallel_loop3A_396 = arith.constant 16 : index
      %parallel_loop3A_397 = tpu.vector_load %arg7[%parallel_loop3A_395, %parallel_loop3A_396] {strides = array<i32>} : memref<256x128xf32, #tpu.memory_space<vmem>>, vector<1x16xf32>,
      %parallel_loop3A_398 = vector.shape_cast %parallel_loop3A_397 : vector<1x16xf32> to vector<16xf32>
      %parallel_loop3A_399 = vector.shape_cast %parallel_loop3A_392 : vector<16xf32> to vector<1x16xf32>
      tpu.vector_store %arg7[%parallel_loop3A_395, %parallel_loop3A_396], %parallel_loop3A_399 {strides = array<i32>} : memref<256x128xf32, #tpu.memory_space<vmem>>, vector<1x16xf32>,
      %parallel_loop3A_400 = arith.constant 128 : i32
      %parallel_loop3A_401 = arith.addi %parallel_loop3A_400, %parallel_loop3A_357 : i32
      %parallel_loop3A_402 = arith.index_cast %parallel_loop3A_401 : i32 to index
      %parallel_loop3A_403 = arith.constant 32 : index
      %parallel_loop3A_404 = tpu.vector_load %arg7[%parallel_loop3A_402, %parallel_loop3A_403] {strides = array<i32>} : memref<256x128xf32, #tpu.memory_space<vmem>>, vector<1x16xf32>,
      %parallel_loop3A_405 = vector.shape_cast %parallel_loop3A_404 : vector<1x16xf32> to vector<16xf32>
      %parallel_loop3A_406 = arith.constant 11.3137083 : f32
      %parallel_loop3A_407 = vector.broadcast %parallel_loop3A_406 : f32 to vector<16xf32>
      %parallel_loop3A_408 = arith.mulf %parallel_loop3A_405, %parallel_loop3A_407 : vector<16xf32>
      %parallel_loop3A_409 = arith.index_cast %parallel_loop3A_357 : i32 to index
      %parallel_loop3A_410 = arith.constant 32 : index
      %parallel_loop3A_411 = tpu.vector_load %arg8[%parallel_loop3A_409, %parallel_loop3A_410] {strides = array<i32>} : memref<64x128xf32, #tpu.memory_space<vmem>>, vector<1x16xf32>,
      %parallel_loop3A_412 = vector.shape_cast %parallel_loop3A_411 : vector<1x16xf32> to vector<16xf32>
      %parallel_loop3A_413 = arith.addf %parallel_loop3A_408, %parallel_loop3A_412 : vector<16xf32>
      %parallel_loop3A_414 = arith.constant 128 : i32
      %parallel_loop3A_415 = arith.addi %parallel_loop3A_414, %parallel_loop3A_357 : i32
      %parallel_loop3A_416 = arith.index_cast %parallel_loop3A_415 : i32 to index
      %parallel_loop3A_417 = arith.constant 32 : index
      %parallel_loop3A_418 = tpu.vector_load %arg7[%parallel_loop3A_416, %parallel_loop3A_417] {strides = array<i32>} : memref<256x128xf32, #tpu.memory_space<vmem>>, vector<1x16xf32>,
      %parallel_loop3A_419 = vector.shape_cast %parallel_loop3A_418 : vector<1x16xf32> to vector<16xf32>
      %parallel_loop3A_420 = vector.shape_cast %parallel_loop3A_413 : vector<16xf32> to vector<1x16xf32>
      tpu.vector_store %arg7[%parallel_loop3A_416, %parallel_loop3A_417], %parallel_loop3A_420 {strides = array<i32>} : memref<256x128xf32, #tpu.memory_space<vmem>>, vector<1x16xf32>,
      %parallel_loop3A_421 = arith.constant 128 : i32
      %parallel_loop3A_422 = arith.addi %parallel_loop3A_421, %parallel_loop3A_357 : i32
      %parallel_loop3A_423 = arith.index_cast %parallel_loop3A_422 : i32 to index
      %parallel_loop3A_424 = arith.constant 48 : index
      %parallel_loop3A_425 = tpu.vector_load %arg7[%parallel_loop3A_423, %parallel_loop3A_424] {strides = array<i32>} : memref<256x128xf32, #tpu.memory_space<vmem>>, vector<1x16xf32>,
      %parallel_loop3A_426 = vector.shape_cast %parallel_loop3A_425 : vector<1x16xf32> to vector<16xf32>
      %parallel_loop3A_427 = arith.constant 11.3137083 : f32
      %parallel_loop3A_428 = vector.broadcast %parallel_loop3A_427 : f32 to vector<16xf32>
      %parallel_loop3A_429 = arith.mulf %parallel_loop3A_426, %parallel_loop3A_428 : vector<16xf32>
      %parallel_loop3A_430 = arith.index_cast %parallel_loop3A_357 : i32 to index
      %parallel_loop3A_431 = arith.constant 48 : index
      %parallel_loop3A_432 = tpu.vector_load %arg8[%parallel_loop3A_430, %parallel_loop3A_431] {strides = array<i32>} : memref<64x128xf32, #tpu.memory_space<vmem>>, vector<1x16xf32>,
      %parallel_loop3A_433 = vector.shape_cast %parallel_loop3A_432 : vector<1x16xf32> to vector<16xf32>
      %parallel_loop3A_434 = arith.addf %parallel_loop3A_429, %parallel_loop3A_433 : vector<16xf32>
      %parallel_loop3A_435 = arith.constant 128 : i32
      %parallel_loop3A_436 = arith.addi %parallel_loop3A_435, %parallel_loop3A_357 : i32
      %parallel_loop3A_437 = arith.index_cast %parallel_loop3A_436 : i32 to index
      %parallel_loop3A_438 = arith.constant 48 : index
      %parallel_loop3A_439 = tpu.vector_load %arg7[%parallel_loop3A_437, %parallel_loop3A_438] {strides = array<i32>} : memref<256x128xf32, #tpu.memory_space<vmem>>, vector<1x16xf32>,
      %parallel_loop3A_440 = vector.shape_cast %parallel_loop3A_439 : vector<1x16xf32> to vector<16xf32>
      %parallel_loop3A_441 = vector.shape_cast %parallel_loop3A_434 : vector<16xf32> to vector<1x16xf32>
      tpu.vector_store %arg7[%parallel_loop3A_437, %parallel_loop3A_438], %parallel_loop3A_441 {strides = array<i32>} : memref<256x128xf32, #tpu.memory_space<vmem>>, vector<1x16xf32>,
      %parallel_loop3A_442 = arith.constant 128 : i32
      %parallel_loop3A_443 = arith.addi %parallel_loop3A_442, %parallel_loop3A_357 : i32
      %parallel_loop3A_444 = arith.index_cast %parallel_loop3A_443 : i32 to index
      %parallel_loop3A_445 = arith.constant 64 : index
      %parallel_loop3A_446 = tpu.vector_load %arg7[%parallel_loop3A_444, %parallel_loop3A_445] {strides = array<i32>} : memref<256x128xf32, #tpu.memory_space<vmem>>, vector<1x16xf32>,
      %parallel_loop3A_447 = vector.shape_cast %parallel_loop3A_446 : vector<1x16xf32> to vector<16xf32>
      %parallel_loop3A_448 = arith.constant 11.3137083 : f32
      %parallel_loop3A_449 = vector.broadcast %parallel_loop3A_448 : f32 to vector<16xf32>
      %parallel_loop3A_450 = arith.mulf %parallel_loop3A_447, %parallel_loop3A_449 : vector<16xf32>
      %parallel_loop3A_451 = arith.index_cast %parallel_loop3A_357 : i32 to index
      %parallel_loop3A_452 = arith.constant 64 : index
      %parallel_loop3A_453 = tpu.vector_load %arg8[%parallel_loop3A_451, %parallel_loop3A_452] {strides = array<i32>} : memref<64x128xf32, #tpu.memory_space<vmem>>, vector<1x16xf32>,
      %parallel_loop3A_454 = vector.shape_cast %parallel_loop3A_453 : vector<1x16xf32> to vector<16xf32>
      %parallel_loop3A_455 = arith.addf %parallel_loop3A_450, %parallel_loop3A_454 : vector<16xf32>
      %parallel_loop3A_456 = arith.constant 128 : i32
      %parallel_loop3A_457 = arith.addi %parallel_loop3A_456, %parallel_loop3A_357 : i32
      %parallel_loop3A_458 = arith.index_cast %parallel_loop3A_457 : i32 to index
      %parallel_loop3A_459 = arith.constant 64 : index
      %parallel_loop3A_460 = tpu.vector_load %arg7[%parallel_loop3A_458, %parallel_loop3A_459] {strides = array<i32>} : memref<256x128xf32, #tpu.memory_space<vmem>>, vector<1x16xf32>,
      %parallel_loop3A_461 = vector.shape_cast %parallel_loop3A_460 : vector<1x16xf32> to vector<16xf32>
      %parallel_loop3A_462 = vector.shape_cast %parallel_loop3A_455 : vector<16xf32> to vector<1x16xf32>
      tpu.vector_store %arg7[%parallel_loop3A_458, %parallel_loop3A_459], %parallel_loop3A_462 {strides = array<i32>} : memref<256x128xf32, #tpu.memory_space<vmem>>, vector<1x16xf32>,
      %parallel_loop3A_463 = arith.constant 128 : i32
      %parallel_loop3A_464 = arith.addi %parallel_loop3A_463, %parallel_loop3A_357 : i32
      %parallel_loop3A_465 = arith.index_cast %parallel_loop3A_464 : i32 to index
      %parallel_loop3A_466 = arith.constant 80 : index
      %parallel_loop3A_467 = tpu.vector_load %arg7[%parallel_loop3A_465, %parallel_loop3A_466] {strides = array<i32>} : memref<256x128xf32, #tpu.memory_space<vmem>>, vector<1x16xf32>,
      %parallel_loop3A_468 = vector.shape_cast %parallel_loop3A_467 : vector<1x16xf32> to vector<16xf32>
      %parallel_loop3A_469 = arith.constant 11.3137083 : f32
      %parallel_loop3A_470 = vector.broadcast %parallel_loop3A_469 : f32 to vector<16xf32>
      %parallel_loop3A_471 = arith.mulf %parallel_loop3A_468, %parallel_loop3A_470 : vector<16xf32>
      %parallel_loop3A_472 = arith.index_cast %parallel_loop3A_357 : i32 to index
      %parallel_loop3A_473 = arith.constant 80 : index
      %parallel_loop3A_474 = tpu.vector_load %arg8[%parallel_loop3A_472, %parallel_loop3A_473] {strides = array<i32>} : memref<64x128xf32, #tpu.memory_space<vmem>>, vector<1x16xf32>,
      %parallel_loop3A_475 = vector.shape_cast %parallel_loop3A_474 : vector<1x16xf32> to vector<16xf32>
      %parallel_loop3A_476 = arith.addf %parallel_loop3A_471, %parallel_loop3A_475 : vector<16xf32>
      %parallel_loop3A_477 = arith.constant 128 : i32
      %parallel_loop3A_478 = arith.addi %parallel_loop3A_477, %parallel_loop3A_357 : i32
      %parallel_loop3A_479 = arith.index_cast %parallel_loop3A_478 : i32 to index
      %parallel_loop3A_480 = arith.constant 80 : index
      %parallel_loop3A_481 = tpu.vector_load %arg7[%parallel_loop3A_479, %parallel_loop3A_480] {strides = array<i32>} : memref<256x128xf32, #tpu.memory_space<vmem>>, vector<1x16xf32>,
      %parallel_loop3A_482 = vector.shape_cast %parallel_loop3A_481 : vector<1x16xf32> to vector<16xf32>
      %parallel_loop3A_483 = vector.shape_cast %parallel_loop3A_476 : vector<16xf32> to vector<1x16xf32>
      tpu.vector_store %arg7[%parallel_loop3A_479, %parallel_loop3A_480], %parallel_loop3A_483 {strides = array<i32>} : memref<256x128xf32, #tpu.memory_space<vmem>>, vector<1x16xf32>,
      %parallel_loop3A_484 = arith.constant 128 : i32
      %parallel_loop3A_485 = arith.addi %parallel_loop3A_484, %parallel_loop3A_357 : i32
      %parallel_loop3A_486 = arith.index_cast %parallel_loop3A_485 : i32 to index
      %parallel_loop3A_487 = arith.constant 96 : index
      %parallel_loop3A_488 = tpu.vector_load %arg7[%parallel_loop3A_486, %parallel_loop3A_487] {strides = array<i32>} : memref<256x128xf32, #tpu.memory_space<vmem>>, vector<1x16xf32>,
      %parallel_loop3A_489 = vector.shape_cast %parallel_loop3A_488 : vector<1x16xf32> to vector<16xf32>
      %parallel_loop3A_490 = arith.constant 11.3137083 : f32
      %parallel_loop3A_491 = vector.broadcast %parallel_loop3A_490 : f32 to vector<16xf32>
      %parallel_loop3A_492 = arith.mulf %parallel_loop3A_489, %parallel_loop3A_491 : vector<16xf32>
      %parallel_loop3A_493 = arith.index_cast %parallel_loop3A_357 : i32 to index
      %parallel_loop3A_494 = arith.constant 96 : index
      %parallel_loop3A_495 = tpu.vector_load %arg8[%parallel_loop3A_493, %parallel_loop3A_494] {strides = array<i32>} : memref<64x128xf32, #tpu.memory_space<vmem>>, vector<1x16xf32>,
      %parallel_loop3A_496 = vector.shape_cast %parallel_loop3A_495 : vector<1x16xf32> to vector<16xf32>
      %parallel_loop3A_497 = arith.addf %parallel_loop3A_492, %parallel_loop3A_496 : vector<16xf32>
      %parallel_loop3A_498 = arith.constant 128 : i32
      %parallel_loop3A_499 = arith.addi %parallel_loop3A_498, %parallel_loop3A_357 : i32
      %parallel_loop3A_500 = arith.index_cast %parallel_loop3A_499 : i32 to index
      %parallel_loop3A_501 = arith.constant 96 : index
      %parallel_loop3A_502 = tpu.vector_load %arg7[%parallel_loop3A_500, %parallel_loop3A_501] {strides = array<i32>} : memref<256x128xf32, #tpu.memory_space<vmem>>, vector<1x16xf32>,
      %parallel_loop3A_503 = vector.shape_cast %parallel_loop3A_502 : vector<1x16xf32> to vector<16xf32>
      %parallel_loop3A_504 = vector.shape_cast %parallel_loop3A_497 : vector<16xf32> to vector<1x16xf32>
      tpu.vector_store %arg7[%parallel_loop3A_500, %parallel_loop3A_501], %parallel_loop3A_504 {strides = array<i32>} : memref<256x128xf32, #tpu.memory_space<vmem>>, vector<1x16xf32>,
      %parallel_loop3A_505 = arith.constant 128 : i32
      %parallel_loop3A_506 = arith.addi %parallel_loop3A_505, %parallel_loop3A_357 : i32
      %parallel_loop3A_507 = arith.index_cast %parallel_loop3A_506 : i32 to index
      %parallel_loop3A_508 = arith.constant 112 : index
      %parallel_loop3A_509 = tpu.vector_load %arg7[%parallel_loop3A_507, %parallel_loop3A_508] {strides = array<i32>} : memref<256x128xf32, #tpu.memory_space<vmem>>, vector<1x16xf32>,
      %parallel_loop3A_510 = vector.shape_cast %parallel_loop3A_509 : vector<1x16xf32> to vector<16xf32>
      %parallel_loop3A_511 = arith.constant 11.3137083 : f32
      %parallel_loop3A_512 = vector.broadcast %parallel_loop3A_511 : f32 to vector<16xf32>
      %parallel_loop3A_513 = arith.mulf %parallel_loop3A_510, %parallel_loop3A_512 : vector<16xf32>
      %parallel_loop3A_514 = arith.index_cast %parallel_loop3A_357 : i32 to index
      %parallel_loop3A_515 = arith.constant 112 : index
      %parallel_loop3A_516 = tpu.vector_load %arg8[%parallel_loop3A_514, %parallel_loop3A_515] {strides = array<i32>} : memref<64x128xf32, #tpu.memory_space<vmem>>, vector<1x16xf32>,
      %parallel_loop3A_517 = vector.shape_cast %parallel_loop3A_516 : vector<1x16xf32> to vector<16xf32>
      %parallel_loop3A_518 = arith.addf %parallel_loop3A_513, %parallel_loop3A_517 : vector<16xf32>
      %parallel_loop3A_519 = arith.constant 128 : i32
      %parallel_loop3A_520 = arith.addi %parallel_loop3A_519, %parallel_loop3A_357 : i32
      %parallel_loop3A_521 = arith.index_cast %parallel_loop3A_520 : i32 to index
      %parallel_loop3A_522 = arith.constant 112 : index
      %parallel_loop3A_523 = tpu.vector_load %arg7[%parallel_loop3A_521, %parallel_loop3A_522] {strides = array<i32>} : memref<256x128xf32, #tpu.memory_space<vmem>>, vector<1x16xf32>,
      %parallel_loop3A_524 = vector.shape_cast %parallel_loop3A_523 : vector<1x16xf32> to vector<16xf32>
      %parallel_loop3A_525 = vector.shape_cast %parallel_loop3A_518 : vector<16xf32> to vector<1x16xf32>
      tpu.vector_store %arg7[%parallel_loop3A_521, %parallel_loop3A_522], %parallel_loop3A_525 {strides = array<i32>} : memref<256x128xf32, #tpu.memory_space<vmem>>, vector<1x16xf32>,
    } {sc.loop_unroll_factor = 1 : i64, sc.parallel_access}
    %mul3A_225 = arith.constant 64 : i32
    %mul3A_226 = arith.muli %add3A, %mul3A_225 : i32
    %add3A_227 = arith.constant 0 : i32
    %add3A_228 = arith.addi %mul3A_226, %add3A_227 : i32
    %dma_start3A_229 = arith.constant 2 : i32
    %dma_start3A_230 = arith.constant 128 : i32
    %dma_start3A_231 = arith.constant 0 : i32
    %dma_start3A_232 = tpu.memref_slice %arg7[%dma_start3A_230, %dma_start3A_231] : memref<256x128xf32, #tpu.memory_space<vmem>> -> memref<64x128xf32, #tpu.memory_space<vmem>>
    %dma_start3A_233 = arith.constant 0 : i32
    %dma_start3A_234 = tpu.memref_slice %arg5[%dma_start3A_229, %add3A_228, %dma_start3A_233] : memref<4x2048x128xf32, #tpu.memory_space<hbm>> -> memref<1x64x128xf32, #tpu.memory_space<hbm>>
    %dma_start3A_235 = tpu.memref_squeeze %dma_start3A_234 : memref<1x64x128xf32, #tpu.memory_space<hbm>> -> memref<64x128xf32, #tpu.memory_space<hbm>>
    %dma_start3A_236 = arith.constant 0 : i32
    %dma_start3A_237 = tpu.memref_slice %arg5[%dma_start3A_229, %add3A_228, %dma_start3A_236] : memref<4x2048x128xf32, #tpu.memory_space<hbm>> -> memref<1x64x128xf32, #tpu.memory_space<hbm>>
    %dma_start3A_238 = tpu.memref_squeeze %dma_start3A_237 : memref<1x64x128xf32, #tpu.memory_space<hbm>> -> memref<64x128xf32, #tpu.memory_space<hbm>>
    %dma_start3A_239 = arith.constant 128 : i32
    %dma_start3A_240 = arith.constant 0 : i32
    %dma_start3A_241 = tpu.memref_slice %arg7[%dma_start3A_239, %dma_start3A_240] : memref<256x128xf32, #tpu.memory_space<vmem>> -> memref<64x128xf32, #tpu.memory_space<vmem>>
    tpu.enqueue_dma source(%dma_start3A_241 : memref<64x128xf32, #tpu.memory_space<vmem>>) target(%dma_start3A_238 : memref<64x128xf32, #tpu.memory_space<hbm>>) target_semaphore(%arg12 : memref<!tpu.dma_semaphore, #tpu.memory_space<semaphore_mem>>)
    %dma_wait3A_242 = arith.constant 3 : i32
    %dma_wait3A_243 = arith.constant 192 : i32
    %dma_wait3A_244 = arith.constant 0 : i32
    %dma_wait3A_245 = tpu.memref_slice %arg7[%dma_wait3A_243, %dma_wait3A_244] : memref<256x128xf32, #tpu.memory_space<vmem>> -> memref<64x128xf32, #tpu.memory_space<vmem>>
    %dma_wait3A_246 = arith.constant 0 : i32
    %dma_wait3A_247 = tpu.memref_slice %arg6[%dma_wait3A_242, %dma_wait3A_246] : memref<4x64xi32, #tpu.memory_space<vmem>> -> memref<1x64xi32, #tpu.memory_space<vmem>>
    %dma_wait3A_248 = tpu.memref_squeeze %dma_wait3A_247 : memref<1x64xi32, #tpu.memory_space<vmem>> -> memref<64xi32, #tpu.memory_space<vmem>>
    %dma_wait3A_249 = arith.constant 0 : i32
    %dma_wait3A_250 = arith.constant 0 : i32
    %dma_wait3A_251 = tpu.memref_slice %arg3[%dma_wait3A_249, %dma_wait3A_250] : memref<1000000x128xf32, #tpu.memory_space<hbm>> -> memref<1000000x128xf32, #tpu.memory_space<hbm>>
    tpu.wait_indirect_dma semaphore(%arg10 : memref<!tpu.dma_semaphore, #tpu.memory_space<semaphore_mem>>) src(%dma_wait3A_251 : memref<1000000x128xf32, #tpu.memory_space<hbm>>) dst(%dma_wait3A_245 : memref<64x128xf32, #tpu.memory_space<vmem>>)
    %parallel_loop3A_252 = arith.constant 0 : i32
    %parallel_loop3A_253 = arith.constant 32 : i32
    %parallel_loop3A_254 = arith.constant 1 : i32
    scf.for %parallel_loop3A_357 = %parallel_loop3A_252 to %parallel_loop3A_253 step %parallel_loop3A_254  : i32 {
      %parallel_loop3A_358 = arith.constant 192 : i32
      %parallel_loop3A_359 = arith.addi %parallel_loop3A_358, %parallel_loop3A_357 : i32
      %parallel_loop3A_360 = arith.index_cast %parallel_loop3A_359 : i32 to index
      %parallel_loop3A_361 = arith.constant 0 : index
      %parallel_loop3A_362 = tpu.vector_load %arg7[%parallel_loop3A_360, %parallel_loop3A_361] {strides = array<i32>} : memref<256x128xf32, #tpu.memory_space<vmem>>, vector<1x16xf32>,
      %parallel_loop3A_363 = vector.shape_cast %parallel_loop3A_362 : vector<1x16xf32> to vector<16xf32>
      %parallel_loop3A_364 = arith.constant 11.3137083 : f32
      %parallel_loop3A_365 = vector.broadcast %parallel_loop3A_364 : f32 to vector<16xf32>
      %parallel_loop3A_366 = arith.mulf %parallel_loop3A_363, %parallel_loop3A_365 : vector<16xf32>
      %parallel_loop3A_367 = arith.index_cast %parallel_loop3A_357 : i32 to index
      %parallel_loop3A_368 = arith.constant 0 : index
      %parallel_loop3A_369 = tpu.vector_load %arg8[%parallel_loop3A_367, %parallel_loop3A_368] {strides = array<i32>} : memref<64x128xf32, #tpu.memory_space<vmem>>, vector<1x16xf32>,
      %parallel_loop3A_370 = vector.shape_cast %parallel_loop3A_369 : vector<1x16xf32> to vector<16xf32>
      %parallel_loop3A_371 = arith.addf %parallel_loop3A_366, %parallel_loop3A_370 : vector<16xf32>
      %parallel_loop3A_372 = arith.constant 192 : i32
      %parallel_loop3A_373 = arith.addi %parallel_loop3A_372, %parallel_loop3A_357 : i32
      %parallel_loop3A_374 = arith.index_cast %parallel_loop3A_373 : i32 to index
      %parallel_loop3A_375 = arith.constant 0 : index
      %parallel_loop3A_376 = tpu.vector_load %arg7[%parallel_loop3A_374, %parallel_loop3A_375] {strides = array<i32>} : memref<256x128xf32, #tpu.memory_space<vmem>>, vector<1x16xf32>,
      %parallel_loop3A_377 = vector.shape_cast %parallel_loop3A_376 : vector<1x16xf32> to vector<16xf32>
      %parallel_loop3A_378 = vector.shape_cast %parallel_loop3A_371 : vector<16xf32> to vector<1x16xf32>
      tpu.vector_store %arg7[%parallel_loop3A_374, %parallel_loop3A_375], %parallel_loop3A_378 {strides = array<i32>} : memref<256x128xf32, #tpu.memory_space<vmem>>, vector<1x16xf32>,
      %parallel_loop3A_379 = arith.constant 192 : i32
      %parallel_loop3A_380 = arith.addi %parallel_loop3A_379, %parallel_loop3A_357 : i32
      %parallel_loop3A_381 = arith.index_cast %parallel_loop3A_380 : i32 to index
      %parallel_loop3A_382 = arith.constant 16 : index
      %parallel_loop3A_383 = tpu.vector_load %arg7[%parallel_loop3A_381, %parallel_loop3A_382] {strides = array<i32>} : memref<256x128xf32, #tpu.memory_space<vmem>>, vector<1x16xf32>,
      %parallel_loop3A_384 = vector.shape_cast %parallel_loop3A_383 : vector<1x16xf32> to vector<16xf32>
      %parallel_loop3A_385 = arith.constant 11.3137083 : f32
      %parallel_loop3A_386 = vector.broadcast %parallel_loop3A_385 : f32 to vector<16xf32>
      %parallel_loop3A_387 = arith.mulf %parallel_loop3A_384, %parallel_loop3A_386 : vector<16xf32>
      %parallel_loop3A_388 = arith.index_cast %parallel_loop3A_357 : i32 to index
      %parallel_loop3A_389 = arith.constant 16 : index
      %parallel_loop3A_390 = tpu.vector_load %arg8[%parallel_loop3A_388, %parallel_loop3A_389] {strides = array<i32>} : memref<64x128xf32, #tpu.memory_space<vmem>>, vector<1x16xf32>,
      %parallel_loop3A_391 = vector.shape_cast %parallel_loop3A_390 : vector<1x16xf32> to vector<16xf32>
      %parallel_loop3A_392 = arith.addf %parallel_loop3A_387, %parallel_loop3A_391 : vector<16xf32>
      %parallel_loop3A_393 = arith.constant 192 : i32
      %parallel_loop3A_394 = arith.addi %parallel_loop3A_393, %parallel_loop3A_357 : i32
      %parallel_loop3A_395 = arith.index_cast %parallel_loop3A_394 : i32 to index
      %parallel_loop3A_396 = arith.constant 16 : index
      %parallel_loop3A_397 = tpu.vector_load %arg7[%parallel_loop3A_395, %parallel_loop3A_396] {strides = array<i32>} : memref<256x128xf32, #tpu.memory_space<vmem>>, vector<1x16xf32>,
      %parallel_loop3A_398 = vector.shape_cast %parallel_loop3A_397 : vector<1x16xf32> to vector<16xf32>
      %parallel_loop3A_399 = vector.shape_cast %parallel_loop3A_392 : vector<16xf32> to vector<1x16xf32>
      tpu.vector_store %arg7[%parallel_loop3A_395, %parallel_loop3A_396], %parallel_loop3A_399 {strides = array<i32>} : memref<256x128xf32, #tpu.memory_space<vmem>>, vector<1x16xf32>,
      %parallel_loop3A_400 = arith.constant 192 : i32
      %parallel_loop3A_401 = arith.addi %parallel_loop3A_400, %parallel_loop3A_357 : i32
      %parallel_loop3A_402 = arith.index_cast %parallel_loop3A_401 : i32 to index
      %parallel_loop3A_403 = arith.constant 32 : index
      %parallel_loop3A_404 = tpu.vector_load %arg7[%parallel_loop3A_402, %parallel_loop3A_403] {strides = array<i32>} : memref<256x128xf32, #tpu.memory_space<vmem>>, vector<1x16xf32>,
      %parallel_loop3A_405 = vector.shape_cast %parallel_loop3A_404 : vector<1x16xf32> to vector<16xf32>
      %parallel_loop3A_406 = arith.constant 11.3137083 : f32
      %parallel_loop3A_407 = vector.broadcast %parallel_loop3A_406 : f32 to vector<16xf32>
      %parallel_loop3A_408 = arith.mulf %parallel_loop3A_405, %parallel_loop3A_407 : vector<16xf32>
      %parallel_loop3A_409 = arith.index_cast %parallel_loop3A_357 : i32 to index
      %parallel_loop3A_410 = arith.constant 32 : index
      %parallel_loop3A_411 = tpu.vector_load %arg8[%parallel_loop3A_409, %parallel_loop3A_410] {strides = array<i32>} : memref<64x128xf32, #tpu.memory_space<vmem>>, vector<1x16xf32>,
      %parallel_loop3A_412 = vector.shape_cast %parallel_loop3A_411 : vector<1x16xf32> to vector<16xf32>
      %parallel_loop3A_413 = arith.addf %parallel_loop3A_408, %parallel_loop3A_412 : vector<16xf32>
      %parallel_loop3A_414 = arith.constant 192 : i32
      %parallel_loop3A_415 = arith.addi %parallel_loop3A_414, %parallel_loop3A_357 : i32
      %parallel_loop3A_416 = arith.index_cast %parallel_loop3A_415 : i32 to index
      %parallel_loop3A_417 = arith.constant 32 : index
      %parallel_loop3A_418 = tpu.vector_load %arg7[%parallel_loop3A_416, %parallel_loop3A_417] {strides = array<i32>} : memref<256x128xf32, #tpu.memory_space<vmem>>, vector<1x16xf32>,
      %parallel_loop3A_419 = vector.shape_cast %parallel_loop3A_418 : vector<1x16xf32> to vector<16xf32>
      %parallel_loop3A_420 = vector.shape_cast %parallel_loop3A_413 : vector<16xf32> to vector<1x16xf32>
      tpu.vector_store %arg7[%parallel_loop3A_416, %parallel_loop3A_417], %parallel_loop3A_420 {strides = array<i32>} : memref<256x128xf32, #tpu.memory_space<vmem>>, vector<1x16xf32>,
      %parallel_loop3A_421 = arith.constant 192 : i32
      %parallel_loop3A_422 = arith.addi %parallel_loop3A_421, %parallel_loop3A_357 : i32
      %parallel_loop3A_423 = arith.index_cast %parallel_loop3A_422 : i32 to index
      %parallel_loop3A_424 = arith.constant 48 : index
      %parallel_loop3A_425 = tpu.vector_load %arg7[%parallel_loop3A_423, %parallel_loop3A_424] {strides = array<i32>} : memref<256x128xf32, #tpu.memory_space<vmem>>, vector<1x16xf32>,
      %parallel_loop3A_426 = vector.shape_cast %parallel_loop3A_425 : vector<1x16xf32> to vector<16xf32>
      %parallel_loop3A_427 = arith.constant 11.3137083 : f32
      %parallel_loop3A_428 = vector.broadcast %parallel_loop3A_427 : f32 to vector<16xf32>
      %parallel_loop3A_429 = arith.mulf %parallel_loop3A_426, %parallel_loop3A_428 : vector<16xf32>
      %parallel_loop3A_430 = arith.index_cast %parallel_loop3A_357 : i32 to index
      %parallel_loop3A_431 = arith.constant 48 : index
      %parallel_loop3A_432 = tpu.vector_load %arg8[%parallel_loop3A_430, %parallel_loop3A_431] {strides = array<i32>} : memref<64x128xf32, #tpu.memory_space<vmem>>, vector<1x16xf32>,
      %parallel_loop3A_433 = vector.shape_cast %parallel_loop3A_432 : vector<1x16xf32> to vector<16xf32>
      %parallel_loop3A_434 = arith.addf %parallel_loop3A_429, %parallel_loop3A_433 : vector<16xf32>
      %parallel_loop3A_435 = arith.constant 192 : i32
      %parallel_loop3A_436 = arith.addi %parallel_loop3A_435, %parallel_loop3A_357 : i32
      %parallel_loop3A_437 = arith.index_cast %parallel_loop3A_436 : i32 to index
      %parallel_loop3A_438 = arith.constant 48 : index
      %parallel_loop3A_439 = tpu.vector_load %arg7[%parallel_loop3A_437, %parallel_loop3A_438] {strides = array<i32>} : memref<256x128xf32, #tpu.memory_space<vmem>>, vector<1x16xf32>,
      %parallel_loop3A_440 = vector.shape_cast %parallel_loop3A_439 : vector<1x16xf32> to vector<16xf32>
      %parallel_loop3A_441 = vector.shape_cast %parallel_loop3A_434 : vector<16xf32> to vector<1x16xf32>
      tpu.vector_store %arg7[%parallel_loop3A_437, %parallel_loop3A_438], %parallel_loop3A_441 {strides = array<i32>} : memref<256x128xf32, #tpu.memory_space<vmem>>, vector<1x16xf32>,
      %parallel_loop3A_442 = arith.constant 192 : i32
      %parallel_loop3A_443 = arith.addi %parallel_loop3A_442, %parallel_loop3A_357 : i32
      %parallel_loop3A_444 = arith.index_cast %parallel_loop3A_443 : i32 to index
      %parallel_loop3A_445 = arith.constant 64 : index
      %parallel_loop3A_446 = tpu.vector_load %arg7[%parallel_loop3A_444, %parallel_loop3A_445] {strides = array<i32>} : memref<256x128xf32, #tpu.memory_space<vmem>>, vector<1x16xf32>,
      %parallel_loop3A_447 = vector.shape_cast %parallel_loop3A_446 : vector<1x16xf32> to vector<16xf32>
      %parallel_loop3A_448 = arith.constant 11.3137083 : f32
      %parallel_loop3A_449 = vector.broadcast %parallel_loop3A_448 : f32 to vector<16xf32>
      %parallel_loop3A_450 = arith.mulf %parallel_loop3A_447, %parallel_loop3A_449 : vector<16xf32>
      %parallel_loop3A_451 = arith.index_cast %parallel_loop3A_357 : i32 to index
      %parallel_loop3A_452 = arith.constant 64 : index
      %parallel_loop3A_453 = tpu.vector_load %arg8[%parallel_loop3A_451, %parallel_loop3A_452] {strides = array<i32>} : memref<64x128xf32, #tpu.memory_space<vmem>>, vector<1x16xf32>,
      %parallel_loop3A_454 = vector.shape_cast %parallel_loop3A_453 : vector<1x16xf32> to vector<16xf32>
      %parallel_loop3A_455 = arith.addf %parallel_loop3A_450, %parallel_loop3A_454 : vector<16xf32>
      %parallel_loop3A_456 = arith.constant 192 : i32
      %parallel_loop3A_457 = arith.addi %parallel_loop3A_456, %parallel_loop3A_357 : i32
      %parallel_loop3A_458 = arith.index_cast %parallel_loop3A_457 : i32 to index
      %parallel_loop3A_459 = arith.constant 64 : index
      %parallel_loop3A_460 = tpu.vector_load %arg7[%parallel_loop3A_458, %parallel_loop3A_459] {strides = array<i32>} : memref<256x128xf32, #tpu.memory_space<vmem>>, vector<1x16xf32>,
      %parallel_loop3A_461 = vector.shape_cast %parallel_loop3A_460 : vector<1x16xf32> to vector<16xf32>
      %parallel_loop3A_462 = vector.shape_cast %parallel_loop3A_455 : vector<16xf32> to vector<1x16xf32>
      tpu.vector_store %arg7[%parallel_loop3A_458, %parallel_loop3A_459], %parallel_loop3A_462 {strides = array<i32>} : memref<256x128xf32, #tpu.memory_space<vmem>>, vector<1x16xf32>,
      %parallel_loop3A_463 = arith.constant 192 : i32
      %parallel_loop3A_464 = arith.addi %parallel_loop3A_463, %parallel_loop3A_357 : i32
      %parallel_loop3A_465 = arith.index_cast %parallel_loop3A_464 : i32 to index
      %parallel_loop3A_466 = arith.constant 80 : index
      %parallel_loop3A_467 = tpu.vector_load %arg7[%parallel_loop3A_465, %parallel_loop3A_466] {strides = array<i32>} : memref<256x128xf32, #tpu.memory_space<vmem>>, vector<1x16xf32>,
      %parallel_loop3A_468 = vector.shape_cast %parallel_loop3A_467 : vector<1x16xf32> to vector<16xf32>
      %parallel_loop3A_469 = arith.constant 11.3137083 : f32
      %parallel_loop3A_470 = vector.broadcast %parallel_loop3A_469 : f32 to vector<16xf32>
      %parallel_loop3A_471 = arith.mulf %parallel_loop3A_468, %parallel_loop3A_470 : vector<16xf32>
      %parallel_loop3A_472 = arith.index_cast %parallel_loop3A_357 : i32 to index
      %parallel_loop3A_473 = arith.constant 80 : index
      %parallel_loop3A_474 = tpu.vector_load %arg8[%parallel_loop3A_472, %parallel_loop3A_473] {strides = array<i32>} : memref<64x128xf32, #tpu.memory_space<vmem>>, vector<1x16xf32>,
      %parallel_loop3A_475 = vector.shape_cast %parallel_loop3A_474 : vector<1x16xf32> to vector<16xf32>
      %parallel_loop3A_476 = arith.addf %parallel_loop3A_471, %parallel_loop3A_475 : vector<16xf32>
      %parallel_loop3A_477 = arith.constant 192 : i32
      %parallel_loop3A_478 = arith.addi %parallel_loop3A_477, %parallel_loop3A_357 : i32
      %parallel_loop3A_479 = arith.index_cast %parallel_loop3A_478 : i32 to index
      %parallel_loop3A_480 = arith.constant 80 : index
      %parallel_loop3A_481 = tpu.vector_load %arg7[%parallel_loop3A_479, %parallel_loop3A_480] {strides = array<i32>} : memref<256x128xf32, #tpu.memory_space<vmem>>, vector<1x16xf32>,
      %parallel_loop3A_482 = vector.shape_cast %parallel_loop3A_481 : vector<1x16xf32> to vector<16xf32>
      %parallel_loop3A_483 = vector.shape_cast %parallel_loop3A_476 : vector<16xf32> to vector<1x16xf32>
      tpu.vector_store %arg7[%parallel_loop3A_479, %parallel_loop3A_480], %parallel_loop3A_483 {strides = array<i32>} : memref<256x128xf32, #tpu.memory_space<vmem>>, vector<1x16xf32>,
      %parallel_loop3A_484 = arith.constant 192 : i32
      %parallel_loop3A_485 = arith.addi %parallel_loop3A_484, %parallel_loop3A_357 : i32
      %parallel_loop3A_486 = arith.index_cast %parallel_loop3A_485 : i32 to index
      %parallel_loop3A_487 = arith.constant 96 : index
      %parallel_loop3A_488 = tpu.vector_load %arg7[%parallel_loop3A_486, %parallel_loop3A_487] {strides = array<i32>} : memref<256x128xf32, #tpu.memory_space<vmem>>, vector<1x16xf32>,
      %parallel_loop3A_489 = vector.shape_cast %parallel_loop3A_488 : vector<1x16xf32> to vector<16xf32>
      %parallel_loop3A_490 = arith.constant 11.3137083 : f32
      %parallel_loop3A_491 = vector.broadcast %parallel_loop3A_490 : f32 to vector<16xf32>
      %parallel_loop3A_492 = arith.mulf %parallel_loop3A_489, %parallel_loop3A_491 : vector<16xf32>
      %parallel_loop3A_493 = arith.index_cast %parallel_loop3A_357 : i32 to index
      %parallel_loop3A_494 = arith.constant 96 : index
      %parallel_loop3A_495 = tpu.vector_load %arg8[%parallel_loop3A_493, %parallel_loop3A_494] {strides = array<i32>} : memref<64x128xf32, #tpu.memory_space<vmem>>, vector<1x16xf32>,
      %parallel_loop3A_496 = vector.shape_cast %parallel_loop3A_495 : vector<1x16xf32> to vector<16xf32>
      %parallel_loop3A_497 = arith.addf %parallel_loop3A_492, %parallel_loop3A_496 : vector<16xf32>
      %parallel_loop3A_498 = arith.constant 192 : i32
      %parallel_loop3A_499 = arith.addi %parallel_loop3A_498, %parallel_loop3A_357 : i32
      %parallel_loop3A_500 = arith.index_cast %parallel_loop3A_499 : i32 to index
      %parallel_loop3A_501 = arith.constant 96 : index
      %parallel_loop3A_502 = tpu.vector_load %arg7[%parallel_loop3A_500, %parallel_loop3A_501] {strides = array<i32>} : memref<256x128xf32, #tpu.memory_space<vmem>>, vector<1x16xf32>,
      %parallel_loop3A_503 = vector.shape_cast %parallel_loop3A_502 : vector<1x16xf32> to vector<16xf32>
      %parallel_loop3A_504 = vector.shape_cast %parallel_loop3A_497 : vector<16xf32> to vector<1x16xf32>
      tpu.vector_store %arg7[%parallel_loop3A_500, %parallel_loop3A_501], %parallel_loop3A_504 {strides = array<i32>} : memref<256x128xf32, #tpu.memory_space<vmem>>, vector<1x16xf32>,
      %parallel_loop3A_505 = arith.constant 192 : i32
      %parallel_loop3A_506 = arith.addi %parallel_loop3A_505, %parallel_loop3A_357 : i32
      %parallel_loop3A_507 = arith.index_cast %parallel_loop3A_506 : i32 to index
      %parallel_loop3A_508 = arith.constant 112 : index
      %parallel_loop3A_509 = tpu.vector_load %arg7[%parallel_loop3A_507, %parallel_loop3A_508] {strides = array<i32>} : memref<256x128xf32, #tpu.memory_space<vmem>>, vector<1x16xf32>,
      %parallel_loop3A_510 = vector.shape_cast %parallel_loop3A_509 : vector<1x16xf32> to vector<16xf32>
      %parallel_loop3A_511 = arith.constant 11.3137083 : f32
      %parallel_loop3A_512 = vector.broadcast %parallel_loop3A_511 : f32 to vector<16xf32>
      %parallel_loop3A_513 = arith.mulf %parallel_loop3A_510, %parallel_loop3A_512 : vector<16xf32>
      %parallel_loop3A_514 = arith.index_cast %parallel_loop3A_357 : i32 to index
      %parallel_loop3A_515 = arith.constant 112 : index
      %parallel_loop3A_516 = tpu.vector_load %arg8[%parallel_loop3A_514, %parallel_loop3A_515] {strides = array<i32>} : memref<64x128xf32, #tpu.memory_space<vmem>>, vector<1x16xf32>,
      %parallel_loop3A_517 = vector.shape_cast %parallel_loop3A_516 : vector<1x16xf32> to vector<16xf32>
      %parallel_loop3A_518 = arith.addf %parallel_loop3A_513, %parallel_loop3A_517 : vector<16xf32>
      %parallel_loop3A_519 = arith.constant 192 : i32
      %parallel_loop3A_520 = arith.addi %parallel_loop3A_519, %parallel_loop3A_357 : i32
      %parallel_loop3A_521 = arith.index_cast %parallel_loop3A_520 : i32 to index
      %parallel_loop3A_522 = arith.constant 112 : index
      %parallel_loop3A_523 = tpu.vector_load %arg7[%parallel_loop3A_521, %parallel_loop3A_522] {strides = array<i32>} : memref<256x128xf32, #tpu.memory_space<vmem>>, vector<1x16xf32>,
      %parallel_loop3A_524 = vector.shape_cast %parallel_loop3A_523 : vector<1x16xf32> to vector<16xf32>
      %parallel_loop3A_525 = vector.shape_cast %parallel_loop3A_518 : vector<16xf32> to vector<1x16xf32>
      tpu.vector_store %arg7[%parallel_loop3A_521, %parallel_loop3A_522], %parallel_loop3A_525 {strides = array<i32>} : memref<256x128xf32, #tpu.memory_space<vmem>>, vector<1x16xf32>,
    } {sc.loop_unroll_factor = 1 : i64, sc.parallel_access}
    %mul3A_255 = arith.constant 64 : i32
    %mul3A_256 = arith.muli %add3A, %mul3A_255 : i32
    %add3A_257 = arith.constant 0 : i32
    %add3A_258 = arith.addi %mul3A_256, %add3A_257 : i32
    %dma_start3A_259 = arith.constant 3 : i32
    %dma_start3A_260 = arith.constant 192 : i32
    %dma_start3A_261 = arith.constant 0 : i32
    %dma_start3A_262 = tpu.memref_slice %arg7[%dma_start3A_260, %dma_start3A_261] : memref<256x128xf32, #tpu.memory_space<vmem>> -> memref<32x128xf32, #tpu.memory_space<vmem>>
    %dma_start3A_263 = arith.constant 0 : i32
    %dma_start3A_264 = tpu.memref_slice %arg5[%dma_start3A_259, %add3A_258, %dma_start3A_263] : memref<4x2048x128xf32, #tpu.memory_space<hbm>> -> memref<1x32x128xf32, #tpu.memory_space<hbm>>
    %dma_start3A_265 = tpu.memref_squeeze %dma_start3A_264 : memref<1x32x128xf32, #tpu.memory_space<hbm>> -> memref<32x128xf32, #tpu.memory_space<hbm>>
    %dma_start3A_266 = arith.constant 0 : i32
    %dma_start3A_267 = tpu.memref_slice %arg5[%dma_start3A_259, %add3A_258, %dma_start3A_266] : memref<4x2048x128xf32, #tpu.memory_space<hbm>> -> memref<1x32x128xf32, #tpu.memory_space<hbm>>
    %dma_start3A_268 = tpu.memref_squeeze %dma_start3A_267 : memref<1x32x128xf32, #tpu.memory_space<hbm>> -> memref<32x128xf32, #tpu.memory_space<hbm>>
    %dma_start3A_269 = arith.constant 192 : i32
    %dma_start3A_270 = arith.constant 0 : i32
    %dma_start3A_271 = tpu.memref_slice %arg7[%dma_start3A_269, %dma_start3A_270] : memref<256x128xf32, #tpu.memory_space<vmem>> -> memref<32x128xf32, #tpu.memory_space<vmem>>
    tpu.enqueue_dma source(%dma_start3A_271 : memref<32x128xf32, #tpu.memory_space<vmem>>) target(%dma_start3A_268 : memref<32x128xf32, #tpu.memory_space<hbm>>) target_semaphore(%arg12 : memref<!tpu.dma_semaphore, #tpu.memory_space<semaphore_mem>>)
    %parallel_loop3A_272 = arith.constant 32 : i32
    %parallel_loop3A_273 = arith.constant 64 : i32
    %parallel_loop3A_274 = arith.constant 1 : i32
    scf.for %parallel_loop3A_357 = %parallel_loop3A_272 to %parallel_loop3A_273 step %parallel_loop3A_274  : i32 {
      %parallel_loop3A_358 = arith.constant 192 : i32
      %parallel_loop3A_359 = arith.addi %parallel_loop3A_358, %parallel_loop3A_357 : i32
      %parallel_loop3A_360 = arith.index_cast %parallel_loop3A_359 : i32 to index
      %parallel_loop3A_361 = arith.constant 0 : index
      %parallel_loop3A_362 = tpu.vector_load %arg7[%parallel_loop3A_360, %parallel_loop3A_361] {strides = array<i32>} : memref<256x128xf32, #tpu.memory_space<vmem>>, vector<1x16xf32>,
      %parallel_loop3A_363 = vector.shape_cast %parallel_loop3A_362 : vector<1x16xf32> to vector<16xf32>
      %parallel_loop3A_364 = arith.constant 11.3137083 : f32
      %parallel_loop3A_365 = vector.broadcast %parallel_loop3A_364 : f32 to vector<16xf32>
      %parallel_loop3A_366 = arith.mulf %parallel_loop3A_363, %parallel_loop3A_365 : vector<16xf32>
      %parallel_loop3A_367 = arith.index_cast %parallel_loop3A_357 : i32 to index
      %parallel_loop3A_368 = arith.constant 0 : index
      %parallel_loop3A_369 = tpu.vector_load %arg8[%parallel_loop3A_367, %parallel_loop3A_368] {strides = array<i32>} : memref<64x128xf32, #tpu.memory_space<vmem>>, vector<1x16xf32>,
      %parallel_loop3A_370 = vector.shape_cast %parallel_loop3A_369 : vector<1x16xf32> to vector<16xf32>
      %parallel_loop3A_371 = arith.addf %parallel_loop3A_366, %parallel_loop3A_370 : vector<16xf32>
      %parallel_loop3A_372 = arith.constant 192 : i32
      %parallel_loop3A_373 = arith.addi %parallel_loop3A_372, %parallel_loop3A_357 : i32
      %parallel_loop3A_374 = arith.index_cast %parallel_loop3A_373 : i32 to index
      %parallel_loop3A_375 = arith.constant 0 : index
      %parallel_loop3A_376 = tpu.vector_load %arg7[%parallel_loop3A_374, %parallel_loop3A_375] {strides = array<i32>} : memref<256x128xf32, #tpu.memory_space<vmem>>, vector<1x16xf32>,
      %parallel_loop3A_377 = vector.shape_cast %parallel_loop3A_376 : vector<1x16xf32> to vector<16xf32>
      %parallel_loop3A_378 = vector.shape_cast %parallel_loop3A_371 : vector<16xf32> to vector<1x16xf32>
      tpu.vector_store %arg7[%parallel_loop3A_374, %parallel_loop3A_375], %parallel_loop3A_378 {strides = array<i32>} : memref<256x128xf32, #tpu.memory_space<vmem>>, vector<1x16xf32>,
      %parallel_loop3A_379 = arith.constant 192 : i32
      %parallel_loop3A_380 = arith.addi %parallel_loop3A_379, %parallel_loop3A_357 : i32
      %parallel_loop3A_381 = arith.index_cast %parallel_loop3A_380 : i32 to index
      %parallel_loop3A_382 = arith.constant 16 : index
      %parallel_loop3A_383 = tpu.vector_load %arg7[%parallel_loop3A_381, %parallel_loop3A_382] {strides = array<i32>} : memref<256x128xf32, #tpu.memory_space<vmem>>, vector<1x16xf32>,
      %parallel_loop3A_384 = vector.shape_cast %parallel_loop3A_383 : vector<1x16xf32> to vector<16xf32>
      %parallel_loop3A_385 = arith.constant 11.3137083 : f32
      %parallel_loop3A_386 = vector.broadcast %parallel_loop3A_385 : f32 to vector<16xf32>
      %parallel_loop3A_387 = arith.mulf %parallel_loop3A_384, %parallel_loop3A_386 : vector<16xf32>
      %parallel_loop3A_388 = arith.index_cast %parallel_loop3A_357 : i32 to index
      %parallel_loop3A_389 = arith.constant 16 : index
      %parallel_loop3A_390 = tpu.vector_load %arg8[%parallel_loop3A_388, %parallel_loop3A_389] {strides = array<i32>} : memref<64x128xf32, #tpu.memory_space<vmem>>, vector<1x16xf32>,
      %parallel_loop3A_391 = vector.shape_cast %parallel_loop3A_390 : vector<1x16xf32> to vector<16xf32>
      %parallel_loop3A_392 = arith.addf %parallel_loop3A_387, %parallel_loop3A_391 : vector<16xf32>
      %parallel_loop3A_393 = arith.constant 192 : i32
      %parallel_loop3A_394 = arith.addi %parallel_loop3A_393, %parallel_loop3A_357 : i32
      %parallel_loop3A_395 = arith.index_cast %parallel_loop3A_394 : i32 to index
      %parallel_loop3A_396 = arith.constant 16 : index
      %parallel_loop3A_397 = tpu.vector_load %arg7[%parallel_loop3A_395, %parallel_loop3A_396] {strides = array<i32>} : memref<256x128xf32, #tpu.memory_space<vmem>>, vector<1x16xf32>,
      %parallel_loop3A_398 = vector.shape_cast %parallel_loop3A_397 : vector<1x16xf32> to vector<16xf32>
      %parallel_loop3A_399 = vector.shape_cast %parallel_loop3A_392 : vector<16xf32> to vector<1x16xf32>
      tpu.vector_store %arg7[%parallel_loop3A_395, %parallel_loop3A_396], %parallel_loop3A_399 {strides = array<i32>} : memref<256x128xf32, #tpu.memory_space<vmem>>, vector<1x16xf32>,
      %parallel_loop3A_400 = arith.constant 192 : i32
      %parallel_loop3A_401 = arith.addi %parallel_loop3A_400, %parallel_loop3A_357 : i32
      %parallel_loop3A_402 = arith.index_cast %parallel_loop3A_401 : i32 to index
      %parallel_loop3A_403 = arith.constant 32 : index
      %parallel_loop3A_404 = tpu.vector_load %arg7[%parallel_loop3A_402, %parallel_loop3A_403] {strides = array<i32>} : memref<256x128xf32, #tpu.memory_space<vmem>>, vector<1x16xf32>,
      %parallel_loop3A_405 = vector.shape_cast %parallel_loop3A_404 : vector<1x16xf32> to vector<16xf32>
      %parallel_loop3A_406 = arith.constant 11.3137083 : f32
      %parallel_loop3A_407 = vector.broadcast %parallel_loop3A_406 : f32 to vector<16xf32>
      %parallel_loop3A_408 = arith.mulf %parallel_loop3A_405, %parallel_loop3A_407 : vector<16xf32>
      %parallel_loop3A_409 = arith.index_cast %parallel_loop3A_357 : i32 to index
      %parallel_loop3A_410 = arith.constant 32 : index
      %parallel_loop3A_411 = tpu.vector_load %arg8[%parallel_loop3A_409, %parallel_loop3A_410] {strides = array<i32>} : memref<64x128xf32, #tpu.memory_space<vmem>>, vector<1x16xf32>,
      %parallel_loop3A_412 = vector.shape_cast %parallel_loop3A_411 : vector<1x16xf32> to vector<16xf32>
      %parallel_loop3A_413 = arith.addf %parallel_loop3A_408, %parallel_loop3A_412 : vector<16xf32>
      %parallel_loop3A_414 = arith.constant 192 : i32
      %parallel_loop3A_415 = arith.addi %parallel_loop3A_414, %parallel_loop3A_357 : i32
      %parallel_loop3A_416 = arith.index_cast %parallel_loop3A_415 : i32 to index
      %parallel_loop3A_417 = arith.constant 32 : index
      %parallel_loop3A_418 = tpu.vector_load %arg7[%parallel_loop3A_416, %parallel_loop3A_417] {strides = array<i32>} : memref<256x128xf32, #tpu.memory_space<vmem>>, vector<1x16xf32>,
      %parallel_loop3A_419 = vector.shape_cast %parallel_loop3A_418 : vector<1x16xf32> to vector<16xf32>
      %parallel_loop3A_420 = vector.shape_cast %parallel_loop3A_413 : vector<16xf32> to vector<1x16xf32>
      tpu.vector_store %arg7[%parallel_loop3A_416, %parallel_loop3A_417], %parallel_loop3A_420 {strides = array<i32>} : memref<256x128xf32, #tpu.memory_space<vmem>>, vector<1x16xf32>,
      %parallel_loop3A_421 = arith.constant 192 : i32
      %parallel_loop3A_422 = arith.addi %parallel_loop3A_421, %parallel_loop3A_357 : i32
      %parallel_loop3A_423 = arith.index_cast %parallel_loop3A_422 : i32 to index
      %parallel_loop3A_424 = arith.constant 48 : index
      %parallel_loop3A_425 = tpu.vector_load %arg7[%parallel_loop3A_423, %parallel_loop3A_424] {strides = array<i32>} : memref<256x128xf32, #tpu.memory_space<vmem>>, vector<1x16xf32>,
      %parallel_loop3A_426 = vector.shape_cast %parallel_loop3A_425 : vector<1x16xf32> to vector<16xf32>
      %parallel_loop3A_427 = arith.constant 11.3137083 : f32
      %parallel_loop3A_428 = vector.broadcast %parallel_loop3A_427 : f32 to vector<16xf32>
      %parallel_loop3A_429 = arith.mulf %parallel_loop3A_426, %parallel_loop3A_428 : vector<16xf32>
      %parallel_loop3A_430 = arith.index_cast %parallel_loop3A_357 : i32 to index
      %parallel_loop3A_431 = arith.constant 48 : index
      %parallel_loop3A_432 = tpu.vector_load %arg8[%parallel_loop3A_430, %parallel_loop3A_431] {strides = array<i32>} : memref<64x128xf32, #tpu.memory_space<vmem>>, vector<1x16xf32>,
      %parallel_loop3A_433 = vector.shape_cast %parallel_loop3A_432 : vector<1x16xf32> to vector<16xf32>
      %parallel_loop3A_434 = arith.addf %parallel_loop3A_429, %parallel_loop3A_433 : vector<16xf32>
      %parallel_loop3A_435 = arith.constant 192 : i32
      %parallel_loop3A_436 = arith.addi %parallel_loop3A_435, %parallel_loop3A_357 : i32
      %parallel_loop3A_437 = arith.index_cast %parallel_loop3A_436 : i32 to index
      %parallel_loop3A_438 = arith.constant 48 : index
      %parallel_loop3A_439 = tpu.vector_load %arg7[%parallel_loop3A_437, %parallel_loop3A_438] {strides = array<i32>} : memref<256x128xf32, #tpu.memory_space<vmem>>, vector<1x16xf32>,
      %parallel_loop3A_440 = vector.shape_cast %parallel_loop3A_439 : vector<1x16xf32> to vector<16xf32>
      %parallel_loop3A_441 = vector.shape_cast %parallel_loop3A_434 : vector<16xf32> to vector<1x16xf32>
      tpu.vector_store %arg7[%parallel_loop3A_437, %parallel_loop3A_438], %parallel_loop3A_441 {strides = array<i32>} : memref<256x128xf32, #tpu.memory_space<vmem>>, vector<1x16xf32>,
      %parallel_loop3A_442 = arith.constant 192 : i32
      %parallel_loop3A_443 = arith.addi %parallel_loop3A_442, %parallel_loop3A_357 : i32
      %parallel_loop3A_444 = arith.index_cast %parallel_loop3A_443 : i32 to index
      %parallel_loop3A_445 = arith.constant 64 : index
      %parallel_loop3A_446 = tpu.vector_load %arg7[%parallel_loop3A_444, %parallel_loop3A_445] {strides = array<i32>} : memref<256x128xf32, #tpu.memory_space<vmem>>, vector<1x16xf32>,
      %parallel_loop3A_447 = vector.shape_cast %parallel_loop3A_446 : vector<1x16xf32> to vector<16xf32>
      %parallel_loop3A_448 = arith.constant 11.3137083 : f32
      %parallel_loop3A_449 = vector.broadcast %parallel_loop3A_448 : f32 to vector<16xf32>
      %parallel_loop3A_450 = arith.mulf %parallel_loop3A_447, %parallel_loop3A_449 : vector<16xf32>
      %parallel_loop3A_451 = arith.index_cast %parallel_loop3A_357 : i32 to index
      %parallel_loop3A_452 = arith.constant 64 : index
      %parallel_loop3A_453 = tpu.vector_load %arg8[%parallel_loop3A_451, %parallel_loop3A_452] {strides = array<i32>} : memref<64x128xf32, #tpu.memory_space<vmem>>, vector<1x16xf32>,
      %parallel_loop3A_454 = vector.shape_cast %parallel_loop3A_453 : vector<1x16xf32> to vector<16xf32>
      %parallel_loop3A_455 = arith.addf %parallel_loop3A_450, %parallel_loop3A_454 : vector<16xf32>
      %parallel_loop3A_456 = arith.constant 192 : i32
      %parallel_loop3A_457 = arith.addi %parallel_loop3A_456, %parallel_loop3A_357 : i32
      %parallel_loop3A_458 = arith.index_cast %parallel_loop3A_457 : i32 to index
      %parallel_loop3A_459 = arith.constant 64 : index
      %parallel_loop3A_460 = tpu.vector_load %arg7[%parallel_loop3A_458, %parallel_loop3A_459] {strides = array<i32>} : memref<256x128xf32, #tpu.memory_space<vmem>>, vector<1x16xf32>,
      %parallel_loop3A_461 = vector.shape_cast %parallel_loop3A_460 : vector<1x16xf32> to vector<16xf32>
      %parallel_loop3A_462 = vector.shape_cast %parallel_loop3A_455 : vector<16xf32> to vector<1x16xf32>
      tpu.vector_store %arg7[%parallel_loop3A_458, %parallel_loop3A_459], %parallel_loop3A_462 {strides = array<i32>} : memref<256x128xf32, #tpu.memory_space<vmem>>, vector<1x16xf32>,
      %parallel_loop3A_463 = arith.constant 192 : i32
      %parallel_loop3A_464 = arith.addi %parallel_loop3A_463, %parallel_loop3A_357 : i32
      %parallel_loop3A_465 = arith.index_cast %parallel_loop3A_464 : i32 to index
      %parallel_loop3A_466 = arith.constant 80 : index
      %parallel_loop3A_467 = tpu.vector_load %arg7[%parallel_loop3A_465, %parallel_loop3A_466] {strides = array<i32>} : memref<256x128xf32, #tpu.memory_space<vmem>>, vector<1x16xf32>,
      %parallel_loop3A_468 = vector.shape_cast %parallel_loop3A_467 : vector<1x16xf32> to vector<16xf32>
      %parallel_loop3A_469 = arith.constant 11.3137083 : f32
      %parallel_loop3A_470 = vector.broadcast %parallel_loop3A_469 : f32 to vector<16xf32>
      %parallel_loop3A_471 = arith.mulf %parallel_loop3A_468, %parallel_loop3A_470 : vector<16xf32>
      %parallel_loop3A_472 = arith.index_cast %parallel_loop3A_357 : i32 to index
      %parallel_loop3A_473 = arith.constant 80 : index
      %parallel_loop3A_474 = tpu.vector_load %arg8[%parallel_loop3A_472, %parallel_loop3A_473] {strides = array<i32>} : memref<64x128xf32, #tpu.memory_space<vmem>>, vector<1x16xf32>,
      %parallel_loop3A_475 = vector.shape_cast %parallel_loop3A_474 : vector<1x16xf32> to vector<16xf32>
      %parallel_loop3A_476 = arith.addf %parallel_loop3A_471, %parallel_loop3A_475 : vector<16xf32>
      %parallel_loop3A_477 = arith.constant 192 : i32
      %parallel_loop3A_478 = arith.addi %parallel_loop3A_477, %parallel_loop3A_357 : i32
      %parallel_loop3A_479 = arith.index_cast %parallel_loop3A_478 : i32 to index
      %parallel_loop3A_480 = arith.constant 80 : index
      %parallel_loop3A_481 = tpu.vector_load %arg7[%parallel_loop3A_479, %parallel_loop3A_480] {strides = array<i32>} : memref<256x128xf32, #tpu.memory_space<vmem>>, vector<1x16xf32>,
      %parallel_loop3A_482 = vector.shape_cast %parallel_loop3A_481 : vector<1x16xf32> to vector<16xf32>
      %parallel_loop3A_483 = vector.shape_cast %parallel_loop3A_476 : vector<16xf32> to vector<1x16xf32>
      tpu.vector_store %arg7[%parallel_loop3A_479, %parallel_loop3A_480], %parallel_loop3A_483 {strides = array<i32>} : memref<256x128xf32, #tpu.memory_space<vmem>>, vector<1x16xf32>,
      %parallel_loop3A_484 = arith.constant 192 : i32
      %parallel_loop3A_485 = arith.addi %parallel_loop3A_484, %parallel_loop3A_357 : i32
      %parallel_loop3A_486 = arith.index_cast %parallel_loop3A_485 : i32 to index
      %parallel_loop3A_487 = arith.constant 96 : index
      %parallel_loop3A_488 = tpu.vector_load %arg7[%parallel_loop3A_486, %parallel_loop3A_487] {strides = array<i32>} : memref<256x128xf32, #tpu.memory_space<vmem>>, vector<1x16xf32>,
      %parallel_loop3A_489 = vector.shape_cast %parallel_loop3A_488 : vector<1x16xf32> to vector<16xf32>
      %parallel_loop3A_490 = arith.constant 11.3137083 : f32
      %parallel_loop3A_491 = vector.broadcast %parallel_loop3A_490 : f32 to vector<16xf32>
      %parallel_loop3A_492 = arith.mulf %parallel_loop3A_489, %parallel_loop3A_491 : vector<16xf32>
      %parallel_loop3A_493 = arith.index_cast %parallel_loop3A_357 : i32 to index
      %parallel_loop3A_494 = arith.constant 96 : index
      %parallel_loop3A_495 = tpu.vector_load %arg8[%parallel_loop3A_493, %parallel_loop3A_494] {strides = array<i32>} : memref<64x128xf32, #tpu.memory_space<vmem>>, vector<1x16xf32>,
      %parallel_loop3A_496 = vector.shape_cast %parallel_loop3A_495 : vector<1x16xf32> to vector<16xf32>
      %parallel_loop3A_497 = arith.addf %parallel_loop3A_492, %parallel_loop3A_496 : vector<16xf32>
      %parallel_loop3A_498 = arith.constant 192 : i32
      %parallel_loop3A_499 = arith.addi %parallel_loop3A_498, %parallel_loop3A_357 : i32
      %parallel_loop3A_500 = arith.index_cast %parallel_loop3A_499 : i32 to index
      %parallel_loop3A_501 = arith.constant 96 : index
      %parallel_loop3A_502 = tpu.vector_load %arg7[%parallel_loop3A_500, %parallel_loop3A_501] {strides = array<i32>} : memref<256x128xf32, #tpu.memory_space<vmem>>, vector<1x16xf32>,
      %parallel_loop3A_503 = vector.shape_cast %parallel_loop3A_502 : vector<1x16xf32> to vector<16xf32>
      %parallel_loop3A_504 = vector.shape_cast %parallel_loop3A_497 : vector<16xf32> to vector<1x16xf32>
      tpu.vector_store %arg7[%parallel_loop3A_500, %parallel_loop3A_501], %parallel_loop3A_504 {strides = array<i32>} : memref<256x128xf32, #tpu.memory_space<vmem>>, vector<1x16xf32>,
      %parallel_loop3A_505 = arith.constant 192 : i32
      %parallel_loop3A_506 = arith.addi %parallel_loop3A_505, %parallel_loop3A_357 : i32
      %parallel_loop3A_507 = arith.index_cast %parallel_loop3A_506 : i32 to index
      %parallel_loop3A_508 = arith.constant 112 : index
      %parallel_loop3A_509 = tpu.vector_load %arg7[%parallel_loop3A_507, %parallel_loop3A_508] {strides = array<i32>} : memref<256x128xf32, #tpu.memory_space<vmem>>, vector<1x16xf32>,
      %parallel_loop3A_510 = vector.shape_cast %parallel_loop3A_509 : vector<1x16xf32> to vector<16xf32>
      %parallel_loop3A_511 = arith.constant 11.3137083 : f32
      %parallel_loop3A_512 = vector.broadcast %parallel_loop3A_511 : f32 to vector<16xf32>
      %parallel_loop3A_513 = arith.mulf %parallel_loop3A_510, %parallel_loop3A_512 : vector<16xf32>
      %parallel_loop3A_514 = arith.index_cast %parallel_loop3A_357 : i32 to index
      %parallel_loop3A_515 = arith.constant 112 : index
      %parallel_loop3A_516 = tpu.vector_load %arg8[%parallel_loop3A_514, %parallel_loop3A_515] {strides = array<i32>} : memref<64x128xf32, #tpu.memory_space<vmem>>, vector<1x16xf32>,
      %parallel_loop3A_517 = vector.shape_cast %parallel_loop3A_516 : vector<1x16xf32> to vector<16xf32>
      %parallel_loop3A_518 = arith.addf %parallel_loop3A_513, %parallel_loop3A_517 : vector<16xf32>
      %parallel_loop3A_519 = arith.constant 192 : i32
      %parallel_loop3A_520 = arith.addi %parallel_loop3A_519, %parallel_loop3A_357 : i32
      %parallel_loop3A_521 = arith.index_cast %parallel_loop3A_520 : i32 to index
      %parallel_loop3A_522 = arith.constant 112 : index
      %parallel_loop3A_523 = tpu.vector_load %arg7[%parallel_loop3A_521, %parallel_loop3A_522] {strides = array<i32>} : memref<256x128xf32, #tpu.memory_space<vmem>>, vector<1x16xf32>,
      %parallel_loop3A_524 = vector.shape_cast %parallel_loop3A_523 : vector<1x16xf32> to vector<16xf32>
      %parallel_loop3A_525 = vector.shape_cast %parallel_loop3A_518 : vector<16xf32> to vector<1x16xf32>
      tpu.vector_store %arg7[%parallel_loop3A_521, %parallel_loop3A_522], %parallel_loop3A_525 {strides = array<i32>} : memref<256x128xf32, #tpu.memory_space<vmem>>, vector<1x16xf32>,
    } {sc.loop_unroll_factor = 1 : i64, sc.parallel_access}
    %mul3A_275 = arith.constant 64 : i32
    %mul3A_276 = arith.muli %add3A, %mul3A_275 : i32
    %add3A_277 = arith.constant 32 : i32
    %add3A_278 = arith.addi %mul3A_276, %add3A_277 : i32
    %dma_start3A_279 = arith.constant 3 : i32
    %dma_start3A_280 = arith.constant 224 : i32
    %dma_start3A_281 = arith.constant 0 : i32
    %dma_start3A_282 = tpu.memref_slice %arg7[%dma_start3A_280, %dma_start3A_281] : memref<256x128xf32, #tpu.memory_space<vmem>> -> memref<32x128xf32, #tpu.memory_space<vmem>>
    %dma_start3A_283 = arith.constant 0 : i32
    %dma_start3A_284 = tpu.memref_slice %arg5[%dma_start3A_279, %add3A_278, %dma_start3A_283] : memref<4x2048x128xf32, #tpu.memory_space<hbm>> -> memref<1x32x128xf32, #tpu.memory_space<hbm>>
    %dma_start3A_285 = tpu.memref_squeeze %dma_start3A_284 : memref<1x32x128xf32, #tpu.memory_space<hbm>> -> memref<32x128xf32, #tpu.memory_space<hbm>>
    %dma_start3A_286 = arith.constant 0 : i32
    %dma_start3A_287 = tpu.memref_slice %arg5[%dma_start3A_279, %add3A_278, %dma_start3A_286] : memref<4x2048x128xf32, #tpu.memory_space<hbm>> -> memref<1x32x128xf32, #tpu.memory_space<hbm>>
    %dma_start3A_288 = tpu.memref_squeeze %dma_start3A_287 : memref<1x32x128xf32, #tpu.memory_space<hbm>> -> memref<32x128xf32, #tpu.memory_space<hbm>>
    %dma_start3A_289 = arith.constant 224 : i32
    %dma_start3A_290 = arith.constant 0 : i32
    %dma_start3A_291 = tpu.memref_slice %arg7[%dma_start3A_289, %dma_start3A_290] : memref<256x128xf32, #tpu.memory_space<vmem>> -> memref<32x128xf32, #tpu.memory_space<vmem>>
    tpu.enqueue_dma source(%dma_start3A_291 : memref<32x128xf32, #tpu.memory_space<vmem>>) target(%dma_start3A_288 : memref<32x128xf32, #tpu.memory_space<hbm>>) target_semaphore(%arg12 : memref<!tpu.dma_semaphore, #tpu.memory_space<semaphore_mem>>)
    %dma_wait3A_292 = arith.constant 0 : i32
    %dma_wait3A_293 = arith.constant 0 : i32
    %dma_wait3A_294 = arith.constant 0 : i32
    %dma_wait3A_295 = tpu.memref_slice %arg7[%dma_wait3A_293, %dma_wait3A_294] : memref<256x128xf32, #tpu.memory_space<vmem>> -> memref<64x128xf32, #tpu.memory_space<vmem>>
    %dma_wait3A_296 = arith.constant 0 : i32
    %dma_wait3A_297 = tpu.memref_slice %arg5[%dma_wait3A_292, %add3A_168, %dma_wait3A_296] : memref<4x2048x128xf32, #tpu.memory_space<hbm>> -> memref<1x64x128xf32, #tpu.memory_space<hbm>>
    %dma_wait3A_298 = tpu.memref_squeeze %dma_wait3A_297 : memref<1x64x128xf32, #tpu.memory_space<hbm>> -> memref<64x128xf32, #tpu.memory_space<hbm>>
    %dma_wait3A_299 = arith.constant 0 : i32
    %dma_wait3A_300 = tpu.memref_slice %arg5[%dma_wait3A_292, %add3A_168, %dma_wait3A_299] : memref<4x2048x128xf32, #tpu.memory_space<hbm>> -> memref<1x64x128xf32, #tpu.memory_space<hbm>>
    %dma_wait3A_301 = tpu.memref_squeeze %dma_wait3A_300 : memref<1x64x128xf32, #tpu.memory_space<hbm>> -> memref<64x128xf32, #tpu.memory_space<hbm>>
    %dma_wait3A_302 = arith.constant 0 : i32
    %dma_wait3A_303 = arith.constant 0 : i32
    %dma_wait3A_304 = tpu.memref_slice %arg7[%dma_wait3A_302, %dma_wait3A_303] : memref<256x128xf32, #tpu.memory_space<vmem>> -> memref<64x128xf32, #tpu.memory_space<vmem>>
    tpu.wait_dma2 semaphore(%arg12 : memref<!tpu.dma_semaphore, #tpu.memory_space<semaphore_mem>>) src(%dma_wait3A_304 : memref<64x128xf32, #tpu.memory_space<vmem>>) dst(%dma_wait3A_301 : memref<64x128xf32, #tpu.memory_space<hbm>>)
    %dma_wait3A_305 = arith.constant 1 : i32
    %dma_wait3A_306 = arith.constant 64 : i32
    %dma_wait3A_307 = arith.constant 0 : i32
    %dma_wait3A_308 = tpu.memref_slice %arg7[%dma_wait3A_306, %dma_wait3A_307] : memref<256x128xf32, #tpu.memory_space<vmem>> -> memref<64x128xf32, #tpu.memory_space<vmem>>
    %dma_wait3A_309 = arith.constant 0 : i32
    %dma_wait3A_310 = tpu.memref_slice %arg5[%dma_wait3A_305, %add3A_198, %dma_wait3A_309] : memref<4x2048x128xf32, #tpu.memory_space<hbm>> -> memref<1x64x128xf32, #tpu.memory_space<hbm>>
    %dma_wait3A_311 = tpu.memref_squeeze %dma_wait3A_310 : memref<1x64x128xf32, #tpu.memory_space<hbm>> -> memref<64x128xf32, #tpu.memory_space<hbm>>
    %dma_wait3A_312 = arith.constant 0 : i32
    %dma_wait3A_313 = tpu.memref_slice %arg5[%dma_wait3A_305, %add3A_198, %dma_wait3A_312] : memref<4x2048x128xf32, #tpu.memory_space<hbm>> -> memref<1x64x128xf32, #tpu.memory_space<hbm>>
    %dma_wait3A_314 = tpu.memref_squeeze %dma_wait3A_313 : memref<1x64x128xf32, #tpu.memory_space<hbm>> -> memref<64x128xf32, #tpu.memory_space<hbm>>
    %dma_wait3A_315 = arith.constant 64 : i32
    %dma_wait3A_316 = arith.constant 0 : i32
    %dma_wait3A_317 = tpu.memref_slice %arg7[%dma_wait3A_315, %dma_wait3A_316] : memref<256x128xf32, #tpu.memory_space<vmem>> -> memref<64x128xf32, #tpu.memory_space<vmem>>
    tpu.wait_dma2 semaphore(%arg12 : memref<!tpu.dma_semaphore, #tpu.memory_space<semaphore_mem>>) src(%dma_wait3A_317 : memref<64x128xf32, #tpu.memory_space<vmem>>) dst(%dma_wait3A_314 : memref<64x128xf32, #tpu.memory_space<hbm>>)
    %dma_wait3A_318 = arith.constant 2 : i32
    %dma_wait3A_319 = arith.constant 128 : i32
    %dma_wait3A_320 = arith.constant 0 : i32
    %dma_wait3A_321 = tpu.memref_slice %arg7[%dma_wait3A_319, %dma_wait3A_320] : memref<256x128xf32, #tpu.memory_space<vmem>> -> memref<64x128xf32, #tpu.memory_space<vmem>>
    %dma_wait3A_322 = arith.constant 0 : i32
    %dma_wait3A_323 = tpu.memref_slice %arg5[%dma_wait3A_318, %add3A_228, %dma_wait3A_322] : memref<4x2048x128xf32, #tpu.memory_space<hbm>> -> memref<1x64x128xf32, #tpu.memory_space<hbm>>
    %dma_wait3A_324 = tpu.memref_squeeze %dma_wait3A_323 : memref<1x64x128xf32, #tpu.memory_space<hbm>> -> memref<64x128xf32, #tpu.memory_space<hbm>>
    %dma_wait3A_325 = arith.constant 0 : i32
    %dma_wait3A_326 = tpu.memref_slice %arg5[%dma_wait3A_318, %add3A_228, %dma_wait3A_325] : memref<4x2048x128xf32, #tpu.memory_space<hbm>> -> memref<1x64x128xf32, #tpu.memory_space<hbm>>
    %dma_wait3A_327 = tpu.memref_squeeze %dma_wait3A_326 : memref<1x64x128xf32, #tpu.memory_space<hbm>> -> memref<64x128xf32, #tpu.memory_space<hbm>>
    %dma_wait3A_328 = arith.constant 128 : i32
    %dma_wait3A_329 = arith.constant 0 : i32
    %dma_wait3A_330 = tpu.memref_slice %arg7[%dma_wait3A_328, %dma_wait3A_329] : memref<256x128xf32, #tpu.memory_space<vmem>> -> memref<64x128xf32, #tpu.memory_space<vmem>>
    tpu.wait_dma2 semaphore(%arg12 : memref<!tpu.dma_semaphore, #tpu.memory_space<semaphore_mem>>) src(%dma_wait3A_330 : memref<64x128xf32, #tpu.memory_space<vmem>>) dst(%dma_wait3A_327 : memref<64x128xf32, #tpu.memory_space<hbm>>)
    %dma_wait3A_331 = arith.constant 3 : i32
    %dma_wait3A_332 = arith.constant 192 : i32
    %dma_wait3A_333 = arith.constant 0 : i32
    %dma_wait3A_334 = tpu.memref_slice %arg7[%dma_wait3A_332, %dma_wait3A_333] : memref<256x128xf32, #tpu.memory_space<vmem>> -> memref<32x128xf32, #tpu.memory_space<vmem>>
    %dma_wait3A_335 = arith.constant 0 : i32
    %dma_wait3A_336 = tpu.memref_slice %arg5[%dma_wait3A_331, %add3A_258, %dma_wait3A_335] : memref<4x2048x128xf32, #tpu.memory_space<hbm>> -> memref<1x32x128xf32, #tpu.memory_space<hbm>>
    %dma_wait3A_337 = tpu.memref_squeeze %dma_wait3A_336 : memref<1x32x128xf32, #tpu.memory_space<hbm>> -> memref<32x128xf32, #tpu.memory_space<hbm>>
    %dma_wait3A_338 = arith.constant 0 : i32
    %dma_wait3A_339 = tpu.memref_slice %arg5[%dma_wait3A_331, %add3A_258, %dma_wait3A_338] : memref<4x2048x128xf32, #tpu.memory_space<hbm>> -> memref<1x32x128xf32, #tpu.memory_space<hbm>>
    %dma_wait3A_340 = tpu.memref_squeeze %dma_wait3A_339 : memref<1x32x128xf32, #tpu.memory_space<hbm>> -> memref<32x128xf32, #tpu.memory_space<hbm>>
    %dma_wait3A_341 = arith.constant 192 : i32
    %dma_wait3A_342 = arith.constant 0 : i32
    %dma_wait3A_343 = tpu.memref_slice %arg7[%dma_wait3A_341, %dma_wait3A_342] : memref<256x128xf32, #tpu.memory_space<vmem>> -> memref<32x128xf32, #tpu.memory_space<vmem>>
    tpu.wait_dma2 semaphore(%arg12 : memref<!tpu.dma_semaphore, #tpu.memory_space<semaphore_mem>>) src(%dma_wait3A_343 : memref<32x128xf32, #tpu.memory_space<vmem>>) dst(%dma_wait3A_340 : memref<32x128xf32, #tpu.memory_space<hbm>>)
    %dma_wait3A_344 = arith.constant 3 : i32
    %dma_wait3A_345 = arith.constant 224 : i32
    %dma_wait3A_346 = arith.constant 0 : i32
    %dma_wait3A_347 = tpu.memref_slice %arg7[%dma_wait3A_345, %dma_wait3A_346] : memref<256x128xf32, #tpu.memory_space<vmem>> -> memref<32x128xf32, #tpu.memory_space<vmem>>
    %dma_wait3A_348 = arith.constant 0 : i32
    %dma_wait3A_349 = tpu.memref_slice %arg5[%dma_wait3A_344, %add3A_278, %dma_wait3A_348] : memref<4x2048x128xf32, #tpu.memory_space<hbm>> -> memref<1x32x128xf32, #tpu.memory_space<hbm>>
    %dma_wait3A_350 = tpu.memref_squeeze %dma_wait3A_349 : memref<1x32x128xf32, #tpu.memory_space<hbm>> -> memref<32x128xf32, #tpu.memory_space<hbm>>
    %dma_wait3A_351 = arith.constant 0 : i32
    %dma_wait3A_352 = tpu.memref_slice %arg5[%dma_wait3A_344, %add3A_278, %dma_wait3A_351] : memref<4x2048x128xf32, #tpu.memory_space<hbm>> -> memref<1x32x128xf32, #tpu.memory_space<hbm>>
    %dma_wait3A_353 = tpu.memref_squeeze %dma_wait3A_352 : memref<1x32x128xf32, #tpu.memory_space<hbm>> -> memref<32x128xf32, #tpu.memory_space<hbm>>
    %dma_wait3A_354 = arith.constant 224 : i32
    %dma_wait3A_355 = arith.constant 0 : i32
    %dma_wait3A_356 = tpu.memref_slice %arg7[%dma_wait3A_354, %dma_wait3A_355] : memref<256x128xf32, #tpu.memory_space<vmem>> -> memref<32x128xf32, #tpu.memory_space<vmem>>
    tpu.wait_dma2 semaphore(%arg12 : memref<!tpu.dma_semaphore, #tpu.memory_space<semaphore_mem>>) src(%dma_wait3A_356 : memref<32x128xf32, #tpu.memory_space<vmem>>) dst(%dma_wait3A_353 : memref<32x128xf32, #tpu.memory_space<hbm>>)
    return
  }
}

</mosaic_0001>

<sc_bundles>
// kernel: kernel.3.cloned.1.call-start
scs
__scs_entry_jumppad:
0x0: {  	(pc) =	sbr.rel $0x88, $3  }
0x1: {  	(tag) =	ssettag $0x0;
	lr =	simm.s32 $0x1  }
0x2: {  	[smem:$0x3F9E] =	sst lr;
	_ =	strace $0xD0000000  }
0x3: {  	_ = 	snop  }
0x4: {  	_ = 	snop  }
0x5: {  	_ = 	snop  }
0x6: {  	_ = 	snop  }
0x7: {  	_ = 	snop  }
__scs_overlays_trampoline_lowered:
0x8: {  	[smem:$0x3FAD] =	sst s0  }
0x9: {  	[smem:$0x3FAE] =	sst s1  }
0xa: {  	[smem:$0x3FAF] =	sst s2  }
0xb: {  	[smem:$0x3FB0] =	sst s3  }
0xc: {  	[smem:$0x3FB1] =	sst s4  }
0xd: {  	[smem:$0x3FB2] =	sst s5  }
0xe: {  	[smem:$0x3FB3] =	sst s6  }
0xf: {  	[smem:$0x3FB4] =	sst s7  }
0x10: {  	[smem:$0x3FB5] =	sst s8  }
0x11: {  	[smem:$0x3FB6] =	sst s9;
	s0 =	simm.s32 @!p0 $0x0  }
0x12: {  	s1 =	sld [smem:$0x3F9C];
	s0 =	simm.s32 @p0 $0x1  }
0x13: {  	[smem:$0x3FB7] =	sst s0;
	s0 =	simm.s32 @!p1 $0x0  }
0x14: {  	s2 =	sld [smem:$0x3F9B];
	s0 =	simm.s32 @p1 $0x1  }
0x15: {  	[smem:$0x3FB8] =	sst s0;
	s0 =	simm.s32 @!p2 $0x0  }
0x16: {  	s3 =	sld [smem:$0x3FDB];
	s0 =	simm.s32 @p2 $0x1  }
0x17: {  	s4 =	simm.s32 $0x1BF5;
	[smem:$0x3FBA] =	sst s0  }
0x18: {  	s0 =	sld [smem:$0x3F9D];
	_ =	swait.ge [sflag:s4], $0x0  }
0x19: {  	s7 =	sld [smem:$0x3F9E]  }
0x1a: {  	s8 =	sadd.s32 $0xFFFFE003, lr  }
0x1b: {  	s9 =	sadd.s32 $0xFFFFFEF7, lr;
	s5 =	simm.s32 $0xFFFFFFFF;
	p2 =	slt.u32 s8, $0xFFFFF086  }
0x1c: {  	p1 =	slt.u32 s9, $0xF7A;
	s5 =	simm.s32 @!p2 $0x0  }
0x1d: {  	s5 =	simm.s32 @p1 $0x1;
	p0 =	seq.s32 s7, s2  }
0x1e: {  	s7 =	smul.u32 @!p0 $0xF7A, s2;
	p2 =	seq.s32 @!p0 s5, $0x0  }
0x1f: {  	s9 =	smul.u32 $0xF7A, s1;
	s8 =	simm.s32 @!p0 $0x1BF5;
	p2 =	por !p2, p0  }
0x20: {  	[sflag:s8] =	ssyncset.s32 @!p0 $0xFFFFF086;
	s6 =	sadd.s32 @!p0 s3, s7;
	s7 =	simm.s32 @!p0 $0x108  }
0x21: {  	s3 =	sadd.s32 s3, s9;
	s6 =	sadd.s32 @!p0 $0x88, s6;
	s7 =	simm.s32 @p2 $0x1082  }
0x22: {  	[simem:s7], [sflag:s8] =	dma.local @!p0 [hbm:s6], $0xF7A  }
0x23: {  	s9 =	sor.u32 $0xD0000000, s2;
	s6 =	simm.s32 $0x108;
	_ =	swait.ge @!p0 [sflag:s8], $0x0  }
0x24: {  	s3 =	sadd.s32 $0x88, s3;
	s6 =	simm.s32 @!p1 $0x1082;
	[sflag:s4] =	ssyncset.s32 $0xFFFFF086  }
0x25: {  	[simem:s6], [sflag:s4] =	dma.local [hbm:s3], $0xF7A  }
0x26: {  	[smem:$0x3F9E] =	sst s1;
	(tag) =	ssettag s2;
	_ =	strace s9  }
0x27: {  	s1 =	sld [smem:$0x3FAE]  }
0x28: {  	s2 =	sld [smem:$0x3FAF]  }
0x29: {  	s4 =	sld [smem:$0x3FB1]  }
0x2a: {  	p0 =	seq.s32 s5, $0x0;
	s5 =	sld [smem:$0x3FB2]  }
0x2b: {  	s6 =	sld [smem:$0x3FB3]  }
0x2c: {  	s7 =	sld [smem:$0x3FB4]  }
0x2d: {  	s3 =	simm.s32 $0x108;
	s8 =	sld [smem:$0x3FB5]  }
0x2e: {  	s3 =	simm.s32 @!p0 $0x1082;
	s9 =	sld [smem:$0x3FB6]  }
0x2f: {  	lr =	sadd.s32 s0, s3;
	s0 =	sld [smem:$0x3FAD]  }
0x30: {  	s3 =	sld [smem:$0x3FB0]  }
0x31: {  	[smem:$0x3FB9] =	sst s10  }
0x32: {  	s10 =	sld [smem:$0x3FB7];
	_ =	sdelay $0x3  }
0x33: {  	p0 =	seq.s32 s10, $0x1;
	s10 =	sld [smem:$0x3FB9];
	_ =	sdelay $0x3  }
0x34: {  	[smem:$0x3FB9] =	sst s10  }
0x35: {  	s10 =	sld [smem:$0x3FB8];
	_ =	sdelay $0x3  }
0x36: {  	p1 =	seq.s32 s10, $0x1;
	s10 =	sld [smem:$0x3FB9];
	_ =	sdelay $0x3  }
0x37: {  	[smem:$0x3FB9] =	sst s10  }
0x38: {  	s10 =	sld [smem:$0x3FBA]  }
0x39: {  	_ = 	snop;
	(pc) =	sbr.ind lr, $3  }
0x3a: {  	_ = 	snop  }
0x3b: {  	_ = 	snop  }
0x3c: {  	p2 =	seq.s32 s10, $0x1;
	s10 =	sld [smem:$0x3FB9]  }
0x3d: {  	_ =	shalt  }
0x3e: {  	_ =	shalt  }
0x3f: {  	_ =	shalt  }
0x40: {  	_ =	shalt  }
0x41: {  	_ =	shalt  }
0x42: {  	_ =	shalt  }
0x43: {  	_ =	shalt  }
0x44: {  	_ =	shalt  }
0x45: {  	_ =	shalt  }
0x46: {  	_ =	shalt  }
0x47: {  	_ =	shalt  }
0x48: {  	_ =	shalt  }
0x49: {  	_ =	shalt  }
0x4a: {  	_ =	shalt  }
0x4b: {  	_ =	shalt  }
0x4c: {  	_ =	shalt  }
0x4d: {  	_ =	shalt  }
0x4e: {  	_ =	shalt  }
0x4f: {  	_ =	shalt  }
0x50: {  	_ =	shalt  }
0x51: {  	_ =	shalt  }
0x52: {  	_ =	shalt  }
0x53: {  	_ =	shalt  }
0x54: {  	_ =	shalt  }
0x55: {  	_ =	shalt  }
0x56: {  	_ =	shalt  }
0x57: {  	_ =	shalt  }
0x58: {  	_ =	shalt  }
0x59: {  	_ =	shalt  }
0x5a: {  	_ =	shalt  }
0x5b: {  	_ =	shalt  }
0x5c: {  	_ =	shalt  }
0x5d: {  	_ =	shalt  }
0x5e: {  	_ =	shalt  }
0x5f: {  	_ =	shalt  }
0x60: {  	_ =	shalt  }
0x61: {  	_ =	shalt  }
0x62: {  	_ =	shalt  }
0x63: {  	_ =	shalt  }
0x64: {  	_ =	shalt  }
0x65: {  	_ =	shalt  }
0x66: {  	_ =	shalt  }
0x67: {  	_ =	shalt  }
0x68: {  	_ =	shalt  }
0x69: {  	_ =	shalt  }
0x6a: {  	_ =	shalt  }
0x6b: {  	_ =	shalt  }
0x6c: {  	_ =	shalt  }
0x6d: {  	_ =	shalt  }
0x6e: {  	_ =	shalt  }
0x6f: {  	_ =	shalt  }
0x70: {  	_ =	shalt  }
0x71: {  	_ =	shalt  }
0x72: {  	_ =	shalt  }
0x73: {  	_ =	shalt  }
0x74: {  	_ =	shalt  }
0x75: {  	_ =	shalt  }
0x76: {  	_ =	shalt  }
0x77: {  	_ =	shalt  }
0x78: {  	_ =	shalt  }
0x79: {  	_ =	shalt  }
0x7a: {  	_ =	shalt  }
0x7b: {  	_ =	shalt  }
0x7c: {  	_ =	shalt  }
0x7d: {  	_ =	shalt  }
0x7e: {  	_ =	shalt  }
0x7f: {  	_ =	shalt  }
0x80: {  	_ =	shalt  }
0x81: {  	_ =	shalt  }
0x82: {  	_ =	shalt  }
0x83: {  	_ =	shalt  }
0x84: {  	_ =	shalt  }
0x85: {  	_ =	shalt  }
0x86: {  	_ =	shalt  }
0x87: {  	_ =	shalt  }
.Lfunc_end0:
.L_simem_size_0:
called_computation_lowered:
.L_overlay_start_0:
0x88: {  	s2 =	sld [smem:$0x3FD9]  }
0x89: {  	s3 =	sld [smem:$0x3FFE];
	_ =	sdelay $0x1  }
0x8a: {  	s1 =	srdreg.scid  }
0x8b: {  	s0 =	sand.u32 $0x1, s1  }
0x8c: {  	s18 =	sshll.u32 s0, $0xA;
	s2 =	sadd.s32 s3, s2  }
0x8d: {  	s2 =	sadd.s32 s2, s18  }
0x8e: {  	[smem:$0x3FC5] =	sst s2  }
0x8f: {  	_ = 	snop  }
0x90: {  	s2 =	sld [smem:$0x3FC9]  }
0x91: {  	s19 =	sld [smem:$0x3FC8]  }
0x92: {  	s4 =	sld [smem:$0x3FC7]  }
0x93: {  	s5 =	sld [smem:$0x3FD0];
	(tm) =	ssettm $0x1  }
0x94: {  	s6 =	sld [smem:$0x3FFB];
	_ =	sdelay $0x3  }
0x95: {  	_ =	strace s6  }
0x96: {  	s6 =	sld [smem:$0x3FFC];
	_ =	sdelay $0x3  }
0x97: {  	_ =	strace s6  }
0x98: {  	s6 =	sld [smem:$0x3FFD];
	_ =	sdelay $0x3  }
0x99: {  	_ =	strace s6  }
0x9a: {  	_ =	strace $0x8FFFFFFF  }
0x9b: {  	s20 =	sld [smem:$0x3FDB];
	_ =	sdelay $0x1  }
0x9c: {  	s7 =	simm.s32 $_scs_section_size  }
0x9d: {  	s8 =	simm.s32 $_size__tile_overlayer_lowered;
	s9 =	simm.s32 $_tile_overlayer_lowered  }
0x9e: {  	s23 =	simm.s32 $0x1BFF;
	s22 =	sshll.u32 s9, $0x1;
	s6 =	sadd.s32 s7, s20  }
0x9f: {  	s10 =	simm.s32 $0x0;
	s21 =	sshll.u32 s8, $0x1;
	s8 =	sadd.s32 s22, s6  }
0xa0: {  	[timem:s10], [sflag:s23] =	dma.local [hbm:s8], s21  }
0xa1: {  	_ =	swait.ge [sflag:s23], s21  }
0xa2: {  	s7 =	ssub.s32 $0x0, s21;
	[sflag:s23] =	ssyncset.done $0x0  }
0xa3: {  	[sflag:s23] =	ssyncadd.s32 s7;
	_ =	sdelay $0x1  }
0xa4: {  	s24 =	simm.s32 $0x1B8B  }
0xa5: {  	_ =	swait.ge [sflag:s24], $0x1  }
0xa6: {  	[sflag:s24] =	ssyncset.done $0x0  }
0xa7: {  	s25 =	simm.s32 $0x1B8E;
	[sflag:s24] =	ssyncadd.s32 $0xFFFFFFFF  }
0xa8: {  	s26 =	simm.s32 $execute0_lowered;
	[smem:$0x3FD2] =	sst s25  }
0xa9: {  	s7 =	sshll.u32 s26, $0x1;
	_ =	strace $0x80000046;
	[dreg:$0x1] =	wrdreg $0xFFFFFFFF  }
0xaa: {  	s28 =	simm.s32 $_size_execute0_lowered;
	s6 =	sadd.s32 s6, s7;
	[dreg:$0x0] =	wrdreg $0x0  }
0xab: {  	s7 =	sshll.u32 s28, $0x1;
	[dreg:$0x2] =	wrdreg s6  }
0xac: {  	[dreg:$0x3] =	wrdreg s7  }
0xad: {  	[dreg:$0x4] =	wrdreg $0xC0  }
0xae: {  	_ =	task [dreg:s10], $0x5FFFF  }
0xaf: {  	[dreg:$0x1] =	wrdreg $0xFFFFFFFF  }
0xb0: {  	[dreg:$0x0] =	wrdreg $0x60  }
0xb1: {  	[dreg:$0x2] =	wrdreg s2  }
0xb2: {  	[dreg:$0x3] =	wrdreg s19  }
0xb3: {  	[dreg:$0x4] =	wrdreg s4  }
0xb4: {  	[dreg:$0x5] =	wrdreg s5  }
0xb5: {  	[dreg:$0x6] =	wrdreg $0x9  }
0xb6: {  	_ =	task.clear_ibuf [dreg:s10], $0x7FFFF;
	_ =	strace $0x90000046  }
0xb7: {  	s29 =	simm.s32 $0x9;
	_ =	strace $0x80000048  }
0xb8: {  	_ =	swait.ge [sflag:s29], $0x1  }
0xb9: {  	[sflag:s29] =	ssyncadd.s32 $0xFFFFFFFF  }
0xba: {  	_ =	strace $0x90000048  }
0xbb: {  	_ =	sfence  }
0xbc: {  	s30 =	sld [smem:$0x0];
	_ =	sdelay $0x2  }
0xbd: {  	s31 =	sshll.u32 s1, $0xD;
	s1 =	sshrl.u32 s1, $0x2  }
0xbe: {  	s3 =	sand.u32 $0x4000, s31;
	s1 =	sadd.s32 s1, s30  }
0xbf: {  	s0 =	sor.u32 s3, s0;
	s1 =	sshll.u32 s1, $0x11  }
0xc0: {  	s0 =	sor.u32 s1, s0  }
0xc1: {  	s0 =	sadd.s32 $0x8F2B, s0  }
0xc2: {  	[sflag:s0] =	ssyncadd.remote.s32 $0x1  }
0xc3: {  	_ =	sfence.sel $0xFFFF  }
0xc4: {  	[dreg:$0x0] =	wrdreg $0xFFFFFFFF;
	(pc) =	sbr.abs _section_cstart, $3  }
0xc5: {  	[dreg:$0x1] =	wrdreg $0xFFFFFFFF  }
0xc6: {  	_ =	task.clear_ibuf [dreg:s10], $0x2FFFF;
	_ =	strace $0x9FFFFFFF  }
0xc7: {  	(tm) =	ssettm $0x7FFFFFFF  }
tec
execute0_lowered:
.L_overlay_start_1:
0x0: {  	(tag) =	ssettag $0x1  }
0x1: {  	s0 =	rddreg [dreg:$0x0]  }
0x2: {  	s1 =	rddreg [dreg:$0x1]  }
0x3: {  	s2 =	srdreg.scid;
	s5 =	rddreg [dreg:$0x2]  }
0x4: {  	s3 =	stileid.u32;
	s8 =	rddreg [dreg:$0x3]  }
0x5: {  	s15 =	simm.s32 $0x8200;
	s16 =	simm.s32 $0x80;
	s17 =	simm.s32 $0x100  }
0x6: {  	s18 =	simm.s32 $0x180;
	s19 =	simm.s32 $0x1;
	s20 =	simm.s32 $0x40  }
0x7: {  	s21 =	simm.s32 $0x200;
	s22 =	simm.s32 $0x2200;
	s23 =	simm.s32 $0x4200  }
0x8: {  	s24 =	simm.s32 $0x6200;
	s25 =	simm.s32 $0x3;
	s28 =	simm.s32 $0x7200  }
0x9: {  	s29 =	simm.s32 $0x4;
	s30 =	simm.s32 $0x0;
	s2 =	sand.u32 $0x1, s2  }
0xa: {  	s3 =	sshll.u32 s3, $0x7;
	s4 =	sshll.u32 s2, $0x6;
	s2 =	ssub.s32 $0x2, s2  }
0xb: {  	s6 =	sor.u32 s4, s3;
	s3 =	simm.s32 $0x0;
	s10 =	sshrl.u32 s2, $0x1  }
0xc: {  	s7 =	sshll.u32 s6, $0x2;
	[smem:$0x7FF] =	sst s3;
	s2 =	ssub.s32 s2, s10  }
0xd: {  	s26 =	sshll.u32 s6, $0x4;
	s9 =	sand.u32 $0x1E00, s7;
	_ =	strace $0x80000047  }
0xe: {  	s7 =	sor.u32 s4, s7;
	s5 =	sadd.s32 s5, s26;
	s8 =	sadd.s32 s8, s26  }
0xf: {  	s14 =	smax.u32 s2, $0x1;
	s26 =	simm.s32 $0x2;
	s9 =	sor.u32 s4, s9  }
0x10: {  	s31 =	sshrl.u32 s7, $0x3;
	s10 =	sadd.s32 $0x8000, s8;
	s11 =	sadd.s32 $0x10000, s8  }
0x11: {  	s12 =	sadd.s32 $0x18000, s8;
	s13 =	sadd.s32 $0x18200, s8;
	s9 =	sshrl.u32 s9, $0x3  }
0x12: {  	s7 =	sor.u32 $0x20, s31;
	s4 =	sadd.s32 s0, s9;
	s9 =	sor.u32 $0x30, s31  }
0x13: {  	s7 =	sadd.s32 s0, s7;
	s6 =	sadd.s32 $0x10, s4;
	s9 =	sadd.s32 s0, s9  }
.LBB2_1:
0x14: {  	[tilespmem:s15], [sflag:$0x3] =	stream.linear.gather [hbm4b:s5+s3], $0x2000, $0x38;
	[tilespmem:$0xA200] =	vst v63  }
0x15: {  	_ = 	snop  }
0x16: {  	[tilespmem:s3], [sflag:$0x1] =	stream.linear.gather [hbm4b:s4+s3], $0x40, $0x38;
	[tilespmem:$0xA200] =	vst v63  }
0x17: {  	_ = 	snop  }
0x18: {  	[tilespmem:s16], [sflag:$0x1] =	stream.linear.gather [hbm4b:s6+s3], $0x40, $0x38;
	[tilespmem:$0xA200] =	vst v63  }
0x19: {  	_ = 	snop  }
0x1a: {  	[tilespmem:s17], [sflag:$0x1] =	stream.linear.gather [hbm4b:s7+s3], $0x40, $0x38;
	[tilespmem:$0xA200] =	vst v63  }
0x1b: {  	_ = 	snop  }
0x1c: {  	[tilespmem:s18], [sflag:$0x1] =	stream.linear.gather [hbm4b:s9+s3], $0x40, $0x38;
	[tilespmem:$0xA200] =	vst v63  }
0x1d: {  	_ =	swait.ge [sflag:s19], $0x40  }
0x1e: {  	[sflag:s19] =	ssyncset.done $0x0  }
0x1f: {  	[sflag:s19] =	ssyncadd.s32 $0xFFFFFFC0  }
0x20: {  	_ =	swait.ge [sflag:s19], $0x40  }
0x21: {  	[sflag:s19] =	ssyncset.done $0x0  }
0x22: {  	[sflag:s19] =	ssyncadd.s32 $0xFFFFFFC0  }
0x23: {  	_ =	swait.ge [sflag:s19], $0x40  }
0x24: {  	[sflag:s19] =	ssyncset.done $0x0  }
0x25: {  	[sflag:s19] =	ssyncadd.s32 $0xFFFFFFC0  }
0x26: {  	_ =	swait.ge [sflag:s19], $0x40  }
0x27: {  	[sflag:s19] =	ssyncset.done $0x0  }
0x28: {  	[sflag:s19] =	ssyncadd.s32 $0xFFFFFFC0  }
0x29: {  	[tilespmem:s21], [sflag:$0x2] =	stream.indirect.gather [hbm4b:s1+s20], $0x80, s3, s20, $0xb8;
	[tilespmem:$0xA200] =	vst v63  }
0x2a: {  	_ = 	snop  }
0x2b: {  	[tilespmem:s22], [sflag:$0x2] =	stream.indirect.gather [hbm4b:s1+s20], $0x80, s16, s20, $0xb8;
	[tilespmem:$0xA200] =	vst v63  }
0x2c: {  	_ = 	snop  }
0x2d: {  	[tilespmem:s23], [sflag:$0x2] =	stream.indirect.gather [hbm4b:s1+s20], $0x80, s17, s20, $0xb8;
	[tilespmem:$0xA200] =	vst v63  }
0x2e: {  	_ = 	snop  }
0x2f: {  	[tilespmem:s24], [sflag:$0x2] =	stream.indirect.gather [hbm4b:s1+s20], $0x80, s18, s20, $0xb8;
	[tilespmem:$0xA200] =	vst v63  }
0x30: {  	_ =	swait.ge [sflag:s25], $0x2000  }
0x31: {  	[sflag:s25] =	ssyncset.done $0x0  }
0x32: {  	[sflag:s25] =	ssyncadd.s32 $0xFFFFE000  }
0x33: {  	_ =	swait.ge [sflag:s26], $0x2000  }
0x34: {  	[sflag:s26] =	ssyncset.done $0x0  }
0x35: {  	s31 =	simm.s32 $0x0;
	[sflag:s26] =	ssyncadd.s32 $0xFFFFE000  }
0x36: {  	v0 =	vld [tilespmem:s31+$0x270]  }
0x37: {  	v1 =	vld [tilespmem:s31+$0x200]  }
0x38: {  	v2 =	vld [tilespmem:s31+$0x8270]  }
0x39: {  	v3 =	vld [tilespmem:s31+$0x210]  }
0x3a: {  	v4 =	vld [tilespmem:s31+$0x220]  }
0x3b: {  	v7 =	vld [tilespmem:s31+$0x230]  }
0x3c: {  	v9 =	vld [tilespmem:s31+$0x240]  }
0x3d: {  	v11 =	vld [tilespmem:s31+$0x250]  }
0x3e: {  	v12 =	vld [tilespmem:s31+$0x260];
	v0 =	vmul.f32 $1.131370830e+01, v0  }
0x3f: {  	v10 =	vld [tilespmem:s31+$0x8200]  }
0x40: {  	v13 =	vld [tilespmem:s31+$0x8210];
	v0 =	vadd.f32 v2, v0  }
0x41: {  	v8 =	vld [tilespmem:s31+$0x8220]  }
0x42: {  	v6 =	vld [tilespmem:s31+$0x8230];
	[tilespmem:s31+$0x270] =	vst v0;
	v0 =	vmul.f32 $1.131370830e+01, v1  }
0x43: {  	v14 =	vmul.f32 $1.131370830e+01, v3;
	v5 =	vmul.f32 $1.131370830e+01, v4;
	v4 =	vld [tilespmem:s31+$0x8240]  }
0x44: {  	v3 =	vmul.f32 $1.131370830e+01, v7;
	v7 =	vld [tilespmem:s31+$0x8250];
	v2 =	vmul.f32 $1.131370830e+01, v9;
	v10 =	vadd.f32 v10, v0  }
0x45: {  	s2 =	simm.s32 $0x80;
	s0 =	simm.s32 $0x400;
	v9 =	vld [tilespmem:s31+$0x8260];
	v1 =	vmul.f32 $1.131370830e+01, v11;
	v11 =	vadd.f32 v13, v14;
	v0 =	vmul.f32 $1.131370830e+01, v12  }
.LBB2_2:
0x46: {  	p0 =	sne.s32 s0, $0x7E00;
	v12 =	vld [tilespmem:s2+$0x270];
	[tilespmem:s31+$0x200] =	vst v10;
	v5 =	vadd.f32 v8, v5  }
0x47: {  	v8 =	vld [tilespmem:s2+$0x200];
	[tilespmem:s31+$0x210] =	vst v11;
	v3 =	vadd.f32 v6, v3  }
0x48: {  	v6 =	vld [tilespmem:s2+$0x8270];
	[tilespmem:s31+$0x220] =	vst v5;
	v2 =	vadd.f32 v4, v2  }
0x49: {  	v4 =	vld [tilespmem:s2+$0x210];
	[tilespmem:s31+$0x230] =	vst v3;
	v1 =	vadd.f32 v7, v1  }
0x4a: {  	v3 =	vld [tilespmem:s2+$0x220];
	[tilespmem:s31+$0x240] =	vst v2;
	v0 =	vadd.f32 v9, v0  }
0x4b: {  	v2 =	vld [tilespmem:s2+$0x230];
	v5 =	vmul.f32 $1.131370830e+01, v12;
	[tilespmem:s31+$0x250] =	vst v1  }
0x4c: {  	v7 =	vmul.f32 $1.131370830e+01, v8;
	v1 =	vld [tilespmem:s2+$0x240];
	[tilespmem:s31+$0x260] =	vst v0;
	s31 =	smov.u32 s2  }
0x4d: {  	v0 =	vld [tilespmem:s31+$0x250];
	v6 =	vadd.f32 v6, v5  }
0x4e: {  	v9 =	vmul.f32 $1.131370830e+01, v4;
	v10 =	vld [tilespmem:s31+$0x260]  }
0x4f: {  	v11 =	vld [tilespmem:s31+$0x8200];
	v5 =	vmul.f32 $1.131370830e+01, v3;
	[tilespmem:s31+$0x270] =	vst v6  }
0x50: {  	v12 =	vld [tilespmem:s31+$0x8210];
	v3 =	vmul.f32 $1.131370830e+01, v2  }
.Ltmp0:
0x51: {  	v8 =	vld [tilespmem:s31+$0x8220];
	v2 =	vmul.f32 $1.131370830e+01, v1;
	(pc) =	sbr.rel @p0 .LBB2_2-.Ltmp0, $4  }
0x52: {  	v6 =	vld [tilespmem:s31+$0x8230];
	v1 =	vmul.f32 $1.131370830e+01, v0  }
0x53: {  	v4 =	vld [tilespmem:s31+$0x8240];
	v0 =	vmul.f32 $1.131370830e+01, v10  }
0x54: {  	v10 =	vadd.f32 v11, v7;
	v7 =	vld [tilespmem:s31+$0x8250]  }
0x55: {  	s2 =	sshra.s32 s0, $0x2;
	s0 =	sadd.s32 $0x200, s0;
	v11 =	vadd.f32 v12, v9;
	v9 =	vld [tilespmem:s31+$0x8260]  }
0x56: {  	v12 =	vld [tilespmem:s2+$0x270]  }
0x57: {  	v13 =	vld [tilespmem:s2+$0x200]  }
0x58: {  	v14 =	vld [tilespmem:s2+$0x8270]  }
0x59: {  	v15 =	vld [tilespmem:s2+$0x210]  }
0x5a: {  	v16 =	vld [tilespmem:s2+$0x220]  }
0x5b: {  	v17 =	vld [tilespmem:s2+$0x230]  }
0x5c: {  	v18 =	vld [tilespmem:s2+$0x240]  }
0x5d: {  	v19 =	vld [tilespmem:s2+$0x250]  }
0x5e: {  	v60 =	vld [tilespmem:s2+$0x260];
	[tilespmem:s31+$0x200] =	vst v10;
	v5 =	vadd.f32 v8, v5  }
0x5f: {  	v10 =	vld [tilespmem:s2+$0x8200];
	[tilespmem:s31+$0x210] =	vst v11;
	v3 =	vadd.f32 v6, v3  }
0x60: {  	v6 =	vld [tilespmem:s2+$0x8210];
	[tilespmem:s31+$0x220] =	vst v5;
	v2 =	vadd.f32 v4, v2  }
0x61: {  	v4 =	vld [tilespmem:s2+$0x8220];
	[tilespmem:s31+$0x230] =	vst v3;
	v1 =	vadd.f32 v7, v1;
	v12 =	vmul.f32 $1.131370830e+01, v12  }
0x62: {  	v5 =	vld [tilespmem:s2+$0x8230];
	[tilespmem:s31+$0x240] =	vst v2;
	v0 =	vadd.f32 v9, v0;
	v3 =	vmul.f32 $1.131370830e+01, v13  }
0x63: {  	v7 =	vld [tilespmem:s2+$0x8240];
	v2 =	vmul.f32 $1.131370830e+01, v15;
	[tilespmem:s31+$0x250] =	vst v1;
	v12 =	vadd.f32 v14, v12  }
0x64: {  	v8 =	vld [tilespmem:s2+$0x8250];
	v1 =	vmul.f32 $1.131370830e+01, v16;
	[tilespmem:s31+$0x260] =	vst v0;
	v3 =	vadd.f32 v10, v3  }
0x65: {  	v0 =	vmul.f32 $1.131370830e+01, v17;
	v2 =	vadd.f32 v6, v2;
	v6 =	vld [tilespmem:s2+$0x8260];
	[tilespmem:s2+$0x270] =	vst v12  }
0x66: {  	v9 =	vmul.f32 $1.131370830e+01, v18;
	v1 =	vadd.f32 v4, v1;
	[tilespmem:s2+$0x200] =	vst v3  }
0x67: {  	v0 =	vadd.f32 v5, v0;
	v3 =	vmul.f32 $1.131370830e+01, v19;
	[tilespmem:s2+$0x210] =	vst v2  }
0x68: {  	v2 =	vmul.f32 $1.131370830e+01, v60;
	[tilespmem:s2+$0x220] =	vst v1;
	v1 =	vadd.f32 v7, v9  }
0x69: {  	[tilespmem:s2+$0x230] =	vst v0;
	v0 =	vadd.f32 v8, v3  }
0x6a: {  	[tilespmem:s2+$0x240] =	vst v1;
	v1 =	vadd.f32 v6, v2  }
0x6b: {  	[tilespmem:s2+$0x250] =	vst v0  }
0x6c: {  	s0 =	simm.s32 $0x0;
	[tilespmem:s2+$0x260] =	vst v1  }
0x6d: {  	[hbm4b:s8+s0] =	stream.linear.scatter [tilespmem:s21], [sflag:$0x4], $0x2000, $0x38;
	[tilespmem:$0xA200] =	vst v63  }
0x6e: {  	_ =	swait.ge [sflag:s26], $0x2000  }
0x6f: {  	[sflag:s26] =	ssyncset.done $0x0  }
0x70: {  	s31 =	simm.s32 $0x0;
	[sflag:s26] =	ssyncadd.s32 $0xFFFFE000  }
0x71: {  	v0 =	vld [tilespmem:s31+$0x2270]  }
0x72: {  	v1 =	vld [tilespmem:s31+$0x2200]  }
0x73: {  	v2 =	vld [tilespmem:s31+$0x8270]  }
0x74: {  	v3 =	vld [tilespmem:s31+$0x2210]  }
0x75: {  	v4 =	vld [tilespmem:s31+$0x2220]  }
0x76: {  	v5 =	vld [tilespmem:s31+$0x2230]  }
0x77: {  	v6 =	vld [tilespmem:s31+$0x2240]  }
0x78: {  	v9 =	vld [tilespmem:s31+$0x2250]  }
0x79: {  	v10 =	vld [tilespmem:s31+$0x2260]  }
0x7a: {  	v11 =	vld [tilespmem:s31+$0x8200]  }
0x7b: {  	v61 =	vld [tilespmem:s31+$0x8210];
	v0 =	vmul.f32 $1.131370830e+01, v0  }
0x7c: {  	v8 =	vld [tilespmem:s31+$0x8220]  }
0x7d: {  	v7 =	vld [tilespmem:s31+$0x8230];
	v62 =	vmul.f32 $1.131370830e+01, v1;
	v63 =	vmul.f32 $1.131370830e+01, v3;
	v0 =	vadd.f32 v2, v0  }
0x7e: {  	v4 =	vmul.f32 $1.131370830e+01, v4;
	v3 =	vmul.f32 $1.131370830e+01, v5;
	v5 =	vld [tilespmem:s31+$0x8240]  }
0x7f: {  	v2 =	vmul.f32 $1.131370830e+01, v6;
	v6 =	vld [tilespmem:s31+$0x8250];
	[tilespmem:s31+$0x2270] =	vst v0;
	v0 =	vmul.f32 $1.131370830e+01, v10;
	v10 =	vadd.f32 v11, v62  }
0x80: {  	s2 =	simm.s32 $0x80;
	s0 =	simm.s32 $0x400;
	v1 =	vmul.f32 $1.131370830e+01, v9;
	v9 =	vld [tilespmem:s31+$0x8260];
	v11 =	vadd.f32 v61, v63  }
.LBB2_4:
0x81: {  	p0 =	sne.s32 s0, $0x7E00;
	v12 =	vld [tilespmem:s2+$0x2270];
	[tilespmem:s31+$0x2200] =	vst v10;
	v4 =	vadd.f32 v8, v4  }
0x82: {  	v8 =	vld [tilespmem:s2+$0x2200];
	[tilespmem:s31+$0x2210] =	vst v11;
	v3 =	vadd.f32 v7, v3  }
0x83: {  	v7 =	vld [tilespmem:s2+$0x8270];
	[tilespmem:s31+$0x2220] =	vst v4;
	v2 =	vadd.f32 v5, v2  }
0x84: {  	v4 =	vld [tilespmem:s2+$0x2210];
	[tilespmem:s31+$0x2230] =	vst v3;
	v1 =	vadd.f32 v6, v1  }
0x85: {  	v3 =	vld [tilespmem:s2+$0x2220];
	[tilespmem:s31+$0x2240] =	vst v2;
	v0 =	vadd.f32 v9, v0  }
0x86: {  	v2 =	vld [tilespmem:s2+$0x2230];
	v5 =	vmul.f32 $1.131370830e+01, v12;
	[tilespmem:s31+$0x2250] =	vst v1  }
0x87: {  	v6 =	vmul.f32 $1.131370830e+01, v8;
	v1 =	vld [tilespmem:s2+$0x2240];
	[tilespmem:s31+$0x2260] =	vst v0;
	s31 =	smov.u32 s2  }
0x88: {  	v0 =	vld [tilespmem:s31+$0x2250];
	v5 =	vadd.f32 v7, v5  }
0x89: {  	v9 =	vmul.f32 $1.131370830e+01, v4;
	v10 =	vld [tilespmem:s31+$0x2260]  }
0x8a: {  	v11 =	vld [tilespmem:s31+$0x8200];
	v4 =	vmul.f32 $1.131370830e+01, v3;
	[tilespmem:s31+$0x2270] =	vst v5  }
0x8b: {  	v12 =	vld [tilespmem:s31+$0x8210];
	v3 =	vmul.f32 $1.131370830e+01, v2  }
.Ltmp1:
0x8c: {  	v8 =	vld [tilespmem:s31+$0x8220];
	v2 =	vmul.f32 $1.131370830e+01, v1;
	(pc) =	sbr.rel @p0 .LBB2_4-.Ltmp1, $4  }
0x8d: {  	v7 =	vld [tilespmem:s31+$0x8230];
	v1 =	vmul.f32 $1.131370830e+01, v0  }
0x8e: {  	v5 =	vld [tilespmem:s31+$0x8240];
	v0 =	vmul.f32 $1.131370830e+01, v10  }
0x8f: {  	v10 =	vadd.f32 v11, v6;
	v6 =	vld [tilespmem:s31+$0x8250]  }
0x90: {  	s2 =	sshra.s32 s0, $0x2;
	s0 =	sadd.s32 $0x200, s0;
	v11 =	vadd.f32 v12, v9;
	v9 =	vld [tilespmem:s31+$0x8260]  }
0x91: {  	v12 =	vld [tilespmem:s2+$0x2270]  }
0x92: {  	v13 =	vld [tilespmem:s2+$0x2200]  }
0x93: {  	v14 =	vld [tilespmem:s2+$0x8270]  }
0x94: {  	v15 =	vld [tilespmem:s2+$0x2210]  }
0x95: {  	v16 =	vld [tilespmem:s2+$0x2220]  }
0x96: {  	v17 =	vld [tilespmem:s2+$0x2230]  }
0x97: {  	v18 =	vld [tilespmem:s2+$0x2240]  }
0x98: {  	v19 =	vld [tilespmem:s2+$0x2250]  }
0x99: {  	v60 =	vld [tilespmem:s2+$0x2260];
	[tilespmem:s31+$0x2200] =	vst v10;
	v4 =	vadd.f32 v8, v4  }
0x9a: {  	v10 =	vld [tilespmem:s2+$0x8200];
	[tilespmem:s31+$0x2210] =	vst v11;
	v3 =	vadd.f32 v7, v3  }
0x9b: {  	v7 =	vld [tilespmem:s2+$0x8210];
	[tilespmem:s31+$0x2220] =	vst v4;
	v2 =	vadd.f32 v5, v2  }
0x9c: {  	v4 =	vld [tilespmem:s2+$0x8220];
	[tilespmem:s31+$0x2230] =	vst v3;
	v1 =	vadd.f32 v6, v1;
	v12 =	vmul.f32 $1.131370830e+01, v12  }
0x9d: {  	v5 =	vld [tilespmem:s2+$0x8230];
	[tilespmem:s31+$0x2240] =	vst v2;
	v0 =	vadd.f32 v9, v0;
	v3 =	vmul.f32 $1.131370830e+01, v13  }
0x9e: {  	v6 =	vld [tilespmem:s2+$0x8240];
	v2 =	vmul.f32 $1.131370830e+01, v15;
	[tilespmem:s31+$0x2250] =	vst v1;
	v12 =	vadd.f32 v14, v12  }
0x9f: {  	v8 =	vld [tilespmem:s2+$0x8250];
	v1 =	vmul.f32 $1.131370830e+01, v16;
	[tilespmem:s31+$0x2260] =	vst v0;
	v3 =	vadd.f32 v10, v3  }
0xa0: {  	v0 =	vmul.f32 $1.131370830e+01, v17;
	v2 =	vadd.f32 v7, v2;
	v7 =	vld [tilespmem:s2+$0x8260];
	[tilespmem:s2+$0x2270] =	vst v12  }
0xa1: {  	v9 =	vmul.f32 $1.131370830e+01, v18;
	v1 =	vadd.f32 v4, v1;
	[tilespmem:s2+$0x2200] =	vst v3  }
0xa2: {  	v0 =	vadd.f32 v5, v0;
	v3 =	vmul.f32 $1.131370830e+01, v19;
	[tilespmem:s2+$0x2210] =	vst v2  }
0xa3: {  	v2 =	vmul.f32 $1.131370830e+01, v60;
	[tilespmem:s2+$0x2220] =	vst v1;
	v1 =	vadd.f32 v6, v9  }
0xa4: {  	[tilespmem:s2+$0x2230] =	vst v0;
	v0 =	vadd.f32 v8, v3  }
0xa5: {  	[tilespmem:s2+$0x2240] =	vst v1;
	v1 =	vadd.f32 v7, v2  }
0xa6: {  	[tilespmem:s2+$0x2250] =	vst v0  }
0xa7: {  	s0 =	simm.s32 $0x0;
	[tilespmem:s2+$0x2260] =	vst v1  }
0xa8: {  	[hbm4b:s10+s0] =	stream.linear.scatter [tilespmem:s22], [sflag:$0x4], $0x2000, $0x38;
	[tilespmem:$0xA200] =	vst v63  }
0xa9: {  	_ =	swait.ge [sflag:s26], $0x2000  }
0xaa: {  	[sflag:s26] =	ssyncset.done $0x0  }
0xab: {  	s31 =	simm.s32 $0x0;
	[sflag:s26] =	ssyncadd.s32 $0xFFFFE000  }
0xac: {  	v0 =	vld [tilespmem:s31+$0x4270]  }
0xad: {  	v1 =	vld [tilespmem:s31+$0x4200]  }
0xae: {  	v2 =	vld [tilespmem:s31+$0x8270]  }
0xaf: {  	v3 =	vld [tilespmem:s31+$0x4210]  }
0xb0: {  	v4 =	vld [tilespmem:s31+$0x4220]  }
0xb1: {  	v5 =	vld [tilespmem:s31+$0x4230]  }
0xb2: {  	v6 =	vld [tilespmem:s31+$0x4240]  }
0xb3: {  	v9 =	vld [tilespmem:s31+$0x4250]  }
0xb4: {  	v10 =	vld [tilespmem:s31+$0x4260]  }
0xb5: {  	v11 =	vld [tilespmem:s31+$0x8200]  }
0xb6: {  	v61 =	vld [tilespmem:s31+$0x8210];
	v0 =	vmul.f32 $1.131370830e+01, v0  }
0xb7: {  	v8 =	vld [tilespmem:s31+$0x8220]  }
0xb8: {  	v7 =	vld [tilespmem:s31+$0x8230];
	v62 =	vmul.f32 $1.131370830e+01, v1;
	v63 =	vmul.f32 $1.131370830e+01, v3;
	v0 =	vadd.f32 v2, v0  }
0xb9: {  	v4 =	vmul.f32 $1.131370830e+01, v4;
	v3 =	vmul.f32 $1.131370830e+01, v5;
	v5 =	vld [tilespmem:s31+$0x8240]  }
0xba: {  	v2 =	vmul.f32 $1.131370830e+01, v6;
	v6 =	vld [tilespmem:s31+$0x8250];
	[tilespmem:s31+$0x4270] =	vst v0;
	v0 =	vmul.f32 $1.131370830e+01, v10;
	v10 =	vadd.f32 v11, v62  }
0xbb: {  	s2 =	simm.s32 $0x80;
	s0 =	simm.s32 $0x400;
	v1 =	vmul.f32 $1.131370830e+01, v9;
	v9 =	vld [tilespmem:s31+$0x8260];
	v11 =	vadd.f32 v61, v63  }
.LBB2_6:
0xbc: {  	p0 =	sne.s32 s0, $0x7E00;
	v12 =	vld [tilespmem:s2+$0x4270];
	[tilespmem:s31+$0x4200] =	vst v10;
	v4 =	vadd.f32 v8, v4  }
0xbd: {  	v8 =	vld [tilespmem:s2+$0x4200];
	[tilespmem:s31+$0x4210] =	vst v11;
	v3 =	vadd.f32 v7, v3  }
0xbe: {  	v7 =	vld [tilespmem:s2+$0x8270];
	[tilespmem:s31+$0x4220] =	vst v4;
	v2 =	vadd.f32 v5, v2  }
0xbf: {  	v4 =	vld [tilespmem:s2+$0x4210];
	[tilespmem:s31+$0x4230] =	vst v3;
	v1 =	vadd.f32 v6, v1  }
0xc0: {  	v3 =	vld [tilespmem:s2+$0x4220];
	[tilespmem:s31+$0x4240] =	vst v2;
	v0 =	vadd.f32 v9, v0  }
0xc1: {  	v2 =	vld [tilespmem:s2+$0x4230];
	v5 =	vmul.f32 $1.131370830e+01, v12;
	[tilespmem:s31+$0x4250] =	vst v1  }
0xc2: {  	v6 =	vmul.f32 $1.131370830e+01, v8;
	v1 =	vld [tilespmem:s2+$0x4240];
	[tilespmem:s31+$0x4260] =	vst v0;
	s31 =	smov.u32 s2  }
0xc3: {  	v0 =	vld [tilespmem:s31+$0x4250];
	v5 =	vadd.f32 v7, v5  }
0xc4: {  	v9 =	vmul.f32 $1.131370830e+01, v4;
	v10 =	vld [tilespmem:s31+$0x4260]  }
0xc5: {  	v11 =	vld [tilespmem:s31+$0x8200];
	v4 =	vmul.f32 $1.131370830e+01, v3;
	[tilespmem:s31+$0x4270] =	vst v5  }
0xc6: {  	v12 =	vld [tilespmem:s31+$0x8210];
	v3 =	vmul.f32 $1.131370830e+01, v2  }
.Ltmp2:
0xc7: {  	v8 =	vld [tilespmem:s31+$0x8220];
	v2 =	vmul.f32 $1.131370830e+01, v1;
	(pc) =	sbr.rel @p0 .LBB2_6-.Ltmp2, $4  }
0xc8: {  	v7 =	vld [tilespmem:s31+$0x8230];
	v1 =	vmul.f32 $1.131370830e+01, v0  }
0xc9: {  	v5 =	vld [tilespmem:s31+$0x8240];
	v0 =	vmul.f32 $1.131370830e+01, v10  }
0xca: {  	v10 =	vadd.f32 v11, v6;
	v6 =	vld [tilespmem:s31+$0x8250]  }
0xcb: {  	s2 =	sshra.s32 s0, $0x2;
	s0 =	sadd.s32 $0x200, s0;
	v11 =	vadd.f32 v12, v9;
	v9 =	vld [tilespmem:s31+$0x8260]  }
0xcc: {  	v12 =	vld [tilespmem:s2+$0x4270]  }
0xcd: {  	v13 =	vld [tilespmem:s2+$0x4200]  }
0xce: {  	v14 =	vld [tilespmem:s2+$0x8270]  }
0xcf: {  	v15 =	vld [tilespmem:s2+$0x4210]  }
0xd0: {  	v16 =	vld [tilespmem:s2+$0x4220]  }
0xd1: {  	v17 =	vld [tilespmem:s2+$0x4230]  }
0xd2: {  	v18 =	vld [tilespmem:s2+$0x4240]  }
0xd3: {  	v19 =	vld [tilespmem:s2+$0x4250]  }
0xd4: {  	v60 =	vld [tilespmem:s2+$0x4260];
	[tilespmem:s31+$0x4200] =	vst v10;
	v4 =	vadd.f32 v8, v4  }
0xd5: {  	v10 =	vld [tilespmem:s2+$0x8200];
	[tilespmem:s31+$0x4210] =	vst v11;
	v3 =	vadd.f32 v7, v3  }
0xd6: {  	v7 =	vld [tilespmem:s2+$0x8210];
	[tilespmem:s31+$0x4220] =	vst v4;
	v2 =	vadd.f32 v5, v2  }
0xd7: {  	v4 =	vld [tilespmem:s2+$0x8220];
	[tilespmem:s31+$0x4230] =	vst v3;
	v1 =	vadd.f32 v6, v1;
	v12 =	vmul.f32 $1.131370830e+01, v12  }
0xd8: {  	v5 =	vld [tilespmem:s2+$0x8230];
	[tilespmem:s31+$0x4240] =	vst v2;
	v0 =	vadd.f32 v9, v0;
	v3 =	vmul.f32 $1.131370830e+01, v13  }
0xd9: {  	v6 =	vld [tilespmem:s2+$0x8240];
	v2 =	vmul.f32 $1.131370830e+01, v15;
	[tilespmem:s31+$0x4250] =	vst v1;
	v12 =	vadd.f32 v14, v12  }
0xda: {  	v8 =	vld [tilespmem:s2+$0x8250];
	v1 =	vmul.f32 $1.131370830e+01, v16;
	[tilespmem:s31+$0x4260] =	vst v0;
	v3 =	vadd.f32 v10, v3  }
0xdb: {  	v0 =	vmul.f32 $1.131370830e+01, v17;
	v2 =	vadd.f32 v7, v2;
	v7 =	vld [tilespmem:s2+$0x8260];
	[tilespmem:s2+$0x4270] =	vst v12  }
0xdc: {  	v9 =	vmul.f32 $1.131370830e+01, v18;
	v1 =	vadd.f32 v4, v1;
	[tilespmem:s2+$0x4200] =	vst v3  }
0xdd: {  	v0 =	vadd.f32 v5, v0;
	v3 =	vmul.f32 $1.131370830e+01, v19;
	[tilespmem:s2+$0x4210] =	vst v2  }
0xde: {  	v2 =	vmul.f32 $1.131370830e+01, v60;
	[tilespmem:s2+$0x4220] =	vst v1;
	v1 =	vadd.f32 v6, v9  }
0xdf: {  	[tilespmem:s2+$0x4230] =	vst v0;
	v0 =	vadd.f32 v8, v3  }
0xe0: {  	[tilespmem:s2+$0x4240] =	vst v1;
	v1 =	vadd.f32 v7, v2  }
0xe1: {  	[tilespmem:s2+$0x4250] =	vst v0  }
0xe2: {  	s0 =	simm.s32 $0x0;
	[tilespmem:s2+$0x4260] =	vst v1  }
0xe3: {  	[hbm4b:s11+s0] =	stream.linear.scatter [tilespmem:s23], [sflag:$0x4], $0x2000, $0x38;
	[tilespmem:$0xA200] =	vst v63  }
0xe4: {  	_ =	swait.ge [sflag:s26], $0x2000  }
0xe5: {  	[sflag:s26] =	ssyncset.done $0x0  }
0xe6: {  	s31 =	simm.s32 $0x0;
	[sflag:s26] =	ssyncadd.s32 $0xFFFFE000  }
0xe7: {  	v0 =	vld [tilespmem:s31+$0x6270]  }
0xe8: {  	v1 =	vld [tilespmem:s31+$0x6200]  }
0xe9: {  	v2 =	vld [tilespmem:s31+$0x8270]  }
0xea: {  	v3 =	vld [tilespmem:s31+$0x6210]  }
0xeb: {  	v4 =	vld [tilespmem:s31+$0x6220]  }
0xec: {  	v5 =	vld [tilespmem:s31+$0x6230]  }
0xed: {  	v6 =	vld [tilespmem:s31+$0x6240]  }
0xee: {  	v9 =	vld [tilespmem:s31+$0x6250]  }
0xef: {  	v10 =	vld [tilespmem:s31+$0x6260]  }
0xf0: {  	v11 =	vld [tilespmem:s31+$0x8200]  }
0xf1: {  	v61 =	vld [tilespmem:s31+$0x8210];
	v0 =	vmul.f32 $1.131370830e+01, v0  }
0xf2: {  	v8 =	vld [tilespmem:s31+$0x8220]  }
0xf3: {  	v7 =	vld [tilespmem:s31+$0x8230];
	v62 =	vmul.f32 $1.131370830e+01, v1;
	v63 =	vmul.f32 $1.131370830e+01, v3;
	v0 =	vadd.f32 v2, v0  }
0xf4: {  	v4 =	vmul.f32 $1.131370830e+01, v4;
	v3 =	vmul.f32 $1.131370830e+01, v5;
	v5 =	vld [tilespmem:s31+$0x8240]  }
0xf5: {  	v2 =	vmul.f32 $1.131370830e+01, v6;
	v6 =	vld [tilespmem:s31+$0x8250];
	[tilespmem:s31+$0x6270] =	vst v0;
	v0 =	vmul.f32 $1.131370830e+01, v10;
	v10 =	vadd.f32 v11, v62  }
0xf6: {  	s2 =	simm.s32 $0x80;
	s0 =	simm.s32 $0x400;
	v1 =	vmul.f32 $1.131370830e+01, v9;
	v9 =	vld [tilespmem:s31+$0x8260];
	v11 =	vadd.f32 v61, v63  }
.LBB2_8:
0xf7: {  	p0 =	sne.s32 s0, $0x3E00;
	v12 =	vld [tilespmem:s2+$0x6270];
	[tilespmem:s31+$0x6200] =	vst v10;
	v4 =	vadd.f32 v8, v4  }
0xf8: {  	v8 =	vld [tilespmem:s2+$0x6200];
	[tilespmem:s31+$0x6210] =	vst v11;
	v3 =	vadd.f32 v7, v3  }
0xf9: {  	v7 =	vld [tilespmem:s2+$0x8270];
	[tilespmem:s31+$0x6220] =	vst v4;
	v2 =	vadd.f32 v5, v2  }
0xfa: {  	v4 =	vld [tilespmem:s2+$0x6210];
	[tilespmem:s31+$0x6230] =	vst v3;
	v1 =	vadd.f32 v6, v1  }
0xfb: {  	v3 =	vld [tilespmem:s2+$0x6220];
	[tilespmem:s31+$0x6240] =	vst v2;
	v0 =	vadd.f32 v9, v0  }
0xfc: {  	v2 =	vld [tilespmem:s2+$0x6230];
	v5 =	vmul.f32 $1.131370830e+01, v12;
	[tilespmem:s31+$0x6250] =	vst v1  }
0xfd: {  	v6 =	vmul.f32 $1.131370830e+01, v8;
	v1 =	vld [tilespmem:s2+$0x6240];
	[tilespmem:s31+$0x6260] =	vst v0;
	s31 =	smov.u32 s2  }
0xfe: {  	v0 =	vld [tilespmem:s31+$0x6250];
	v5 =	vadd.f32 v7, v5  }
0xff: {  	v9 =	vmul.f32 $1.131370830e+01, v4;
	v10 =	vld [tilespmem:s31+$0x6260]  }
0x100: {  	v11 =	vld [tilespmem:s31+$0x8200];
	v4 =	vmul.f32 $1.131370830e+01, v3;
	[tilespmem:s31+$0x6270] =	vst v5  }
0x101: {  	v12 =	vld [tilespmem:s31+$0x8210];
	v3 =	vmul.f32 $1.131370830e+01, v2  }
.Ltmp3:
0x102: {  	v8 =	vld [tilespmem:s31+$0x8220];
	v2 =	vmul.f32 $1.131370830e+01, v1;
	(pc) =	sbr.rel @p0 .LBB2_8-.Ltmp3, $4  }
0x103: {  	v7 =	vld [tilespmem:s31+$0x8230];
	v1 =	vmul.f32 $1.131370830e+01, v0  }
0x104: {  	v5 =	vld [tilespmem:s31+$0x8240];
	v0 =	vmul.f32 $1.131370830e+01, v10  }
0x105: {  	v10 =	vadd.f32 v11, v6;
	v6 =	vld [tilespmem:s31+$0x8250]  }
0x106: {  	s2 =	sshra.s32 s0, $0x2;
	s0 =	sadd.s32 $0x200, s0;
	v11 =	vadd.f32 v12, v9;
	v9 =	vld [tilespmem:s31+$0x8260]  }
0x107: {  	v12 =	vld [tilespmem:s2+$0x6270]  }
0x108: {  	v13 =	vld [tilespmem:s2+$0x6200]  }
0x109: {  	v14 =	vld [tilespmem:s2+$0x8270]  }
0x10a: {  	v15 =	vld [tilespmem:s2+$0x6210]  }
0x10b: {  	v16 =	vld [tilespmem:s2+$0x6220]  }
0x10c: {  	v17 =	vld [tilespmem:s2+$0x6230]  }
0x10d: {  	v18 =	vld [tilespmem:s2+$0x6240]  }
0x10e: {  	v19 =	vld [tilespmem:s2+$0x6250]  }
0x10f: {  	v61 =	vld [tilespmem:s2+$0x6260];
	[tilespmem:s31+$0x6200] =	vst v10;
	v4 =	vadd.f32 v8, v4  }
0x110: {  	v10 =	vld [tilespmem:s2+$0x8200];
	[tilespmem:s31+$0x6210] =	vst v11;
	v3 =	vadd.f32 v7, v3  }
0x111: {  	v7 =	vld [tilespmem:s2+$0x8210];
	[tilespmem:s31+$0x6220] =	vst v4;
	v2 =	vadd.f32 v5, v2  }
0x112: {  	v4 =	vld [tilespmem:s2+$0x8220];
	[tilespmem:s31+$0x6230] =	vst v3;
	v1 =	vadd.f32 v6, v1;
	v12 =	vmul.f32 $1.131370830e+01, v12  }
0x113: {  	v5 =	vld [tilespmem:s2+$0x8230];
	[tilespmem:s31+$0x6240] =	vst v2;
	v0 =	vadd.f32 v9, v0;
	v3 =	vmul.f32 $1.131370830e+01, v13  }
0x114: {  	v6 =	vld [tilespmem:s2+$0x8240];
	v2 =	vmul.f32 $1.131370830e+01, v15;
	[tilespmem:s31+$0x6250] =	vst v1;
	v12 =	vadd.f32 v14, v12  }
0x115: {  	v8 =	vld [tilespmem:s2+$0x8250];
	v1 =	vmul.f32 $1.131370830e+01, v16;
	[tilespmem:s31+$0x6260] =	vst v0;
	v3 =	vadd.f32 v10, v3  }
0x116: {  	v0 =	vmul.f32 $1.131370830e+01, v17;
	v2 =	vadd.f32 v7, v2;
	v7 =	vld [tilespmem:s2+$0x8260];
	[tilespmem:s2+$0x6270] =	vst v12  }
0x117: {  	v9 =	vmul.f32 $1.131370830e+01, v18;
	v1 =	vadd.f32 v4, v1;
	[tilespmem:s2+$0x6200] =	vst v3  }
0x118: {  	v0 =	vadd.f32 v5, v0;
	v3 =	vmul.f32 $1.131370830e+01, v19;
	[tilespmem:s2+$0x6210] =	vst v2  }
0x119: {  	v2 =	vmul.f32 $1.131370830e+01, v61;
	[tilespmem:s2+$0x6220] =	vst v1;
	v1 =	vadd.f32 v6, v9  }
0x11a: {  	[tilespmem:s2+$0x6230] =	vst v0;
	v0 =	vadd.f32 v8, v3  }
0x11b: {  	[tilespmem:s2+$0x6240] =	vst v1;
	v1 =	vadd.f32 v7, v2  }
0x11c: {  	[tilespmem:s2+$0x6250] =	vst v0  }
0x11d: {  	s0 =	simm.s32 $0x0;
	s31 =	simm.s32 $0x0;
	[tilespmem:s2+$0x6260] =	vst v1  }
0x11e: {  	[hbm4b:s12+s0] =	stream.linear.scatter [tilespmem:s24], [sflag:$0x4], $0x1000, $0x38;
	[tilespmem:$0xA200] =	vst v63  }
0x11f: {  	v0 =	vld [tilespmem:s31+$0x7270]  }
0x120: {  	v1 =	vld [tilespmem:s31+$0x7200]  }
0x121: {  	v2 =	vld [tilespmem:s31+$0x9270]  }
0x122: {  	v3 =	vld [tilespmem:s31+$0x7210]  }
0x123: {  	v4 =	vld [tilespmem:s31+$0x7220]  }
0x124: {  	v5 =	vld [tilespmem:s31+$0x7230]  }
0x125: {  	v6 =	vld [tilespmem:s31+$0x7240]  }
0x126: {  	v9 =	vld [tilespmem:s31+$0x7250]  }
0x127: {  	v10 =	vld [tilespmem:s31+$0x7260]  }
0x128: {  	v11 =	vld [tilespmem:s31+$0x9200]  }
0x129: {  	v12 =	vld [tilespmem:s31+$0x9210];
	v0 =	vmul.f32 $1.131370830e+01, v0  }
0x12a: {  	v8 =	vld [tilespmem:s31+$0x9220]  }
0x12b: {  	v7 =	vld [tilespmem:s31+$0x9230];
	v62 =	vmul.f32 $1.131370830e+01, v1;
	v63 =	vmul.f32 $1.131370830e+01, v3;
	v0 =	vadd.f32 v2, v0  }
0x12c: {  	v4 =	vmul.f32 $1.131370830e+01, v4;
	v3 =	vmul.f32 $1.131370830e+01, v5;
	v5 =	vld [tilespmem:s31+$0x9240]  }
0x12d: {  	v2 =	vmul.f32 $1.131370830e+01, v6;
	v6 =	vld [tilespmem:s31+$0x9250];
	[tilespmem:s31+$0x7270] =	vst v0;
	v0 =	vmul.f32 $1.131370830e+01, v10;
	v10 =	vadd.f32 v11, v62  }
0x12e: {  	s2 =	simm.s32 $0x80;
	s0 =	simm.s32 $0x400;
	v1 =	vmul.f32 $1.131370830e+01, v9;
	v9 =	vld [tilespmem:s31+$0x9260];
	v11 =	vadd.f32 v12, v63  }
.LBB2_10:
0x12f: {  	p0 =	sne.s32 s0, $0x3E00;
	v12 =	vld [tilespmem:s2+$0x7270];
	[tilespmem:s31+$0x7200] =	vst v10;
	v4 =	vadd.f32 v8, v4  }
0x130: {  	v8 =	vld [tilespmem:s2+$0x7200];
	[tilespmem:s31+$0x7210] =	vst v11;
	v3 =	vadd.f32 v7, v3  }
0x131: {  	v7 =	vld [tilespmem:s2+$0x9270];
	[tilespmem:s31+$0x7220] =	vst v4;
	v2 =	vadd.f32 v5, v2  }
0x132: {  	v4 =	vld [tilespmem:s2+$0x7210];
	[tilespmem:s31+$0x7230] =	vst v3;
	v1 =	vadd.f32 v6, v1  }
0x133: {  	v3 =	vld [tilespmem:s2+$0x7220];
	[tilespmem:s31+$0x7240] =	vst v2;
	v0 =	vadd.f32 v9, v0  }
0x134: {  	v2 =	vld [tilespmem:s2+$0x7230];
	v5 =	vmul.f32 $1.131370830e+01, v12;
	[tilespmem:s31+$0x7250] =	vst v1  }
0x135: {  	v6 =	vmul.f32 $1.131370830e+01, v8;
	v1 =	vld [tilespmem:s2+$0x7240];
	[tilespmem:s31+$0x7260] =	vst v0;
	s31 =	smov.u32 s2  }
0x136: {  	v0 =	vld [tilespmem:s31+$0x7250];
	v5 =	vadd.f32 v7, v5  }
0x137: {  	v9 =	vmul.f32 $1.131370830e+01, v4;
	v10 =	vld [tilespmem:s31+$0x7260]  }
0x138: {  	v11 =	vld [tilespmem:s31+$0x9200];
	v4 =	vmul.f32 $1.131370830e+01, v3;
	[tilespmem:s31+$0x7270] =	vst v5  }
0x139: {  	v12 =	vld [tilespmem:s31+$0x9210];
	v3 =	vmul.f32 $1.131370830e+01, v2  }
.Ltmp4:
0x13a: {  	v8 =	vld [tilespmem:s31+$0x9220];
	v2 =	vmul.f32 $1.131370830e+01, v1;
	(pc) =	sbr.rel @p0 .LBB2_10-.Ltmp4, $4  }
0x13b: {  	v7 =	vld [tilespmem:s31+$0x9230];
	v1 =	vmul.f32 $1.131370830e+01, v0  }
0x13c: {  	v5 =	vld [tilespmem:s31+$0x9240];
	v0 =	vmul.f32 $1.131370830e+01, v10  }
0x13d: {  	v10 =	vadd.f32 v11, v6;
	v6 =	vld [tilespmem:s31+$0x9250]  }
0x13e: {  	s2 =	sshra.s32 s0, $0x2;
	s0 =	sadd.s32 $0x200, s0;
	v11 =	vadd.f32 v12, v9;
	v9 =	vld [tilespmem:s31+$0x9260]  }
0x13f: {  	v12 =	vld [tilespmem:s2+$0x7270]  }
0x140: {  	v13 =	vld [tilespmem:s2+$0x7200]  }
0x141: {  	v14 =	vld [tilespmem:s2+$0x9270]  }
0x142: {  	v15 =	vld [tilespmem:s2+$0x7210]  }
0x143: {  	v16 =	vld [tilespmem:s2+$0x7220]  }
0x144: {  	v17 =	vld [tilespmem:s2+$0x7230]  }
0x145: {  	v18 =	vld [tilespmem:s2+$0x7240]  }
0x146: {  	v19 =	vld [tilespmem:s2+$0x7250]  }
0x147: {  	v46 =	vld [tilespmem:s2+$0x7260];
	[tilespmem:s31+$0x7200] =	vst v10;
	v4 =	vadd.f32 v8, v4  }
0x148: {  	v47 =	vld [tilespmem:s2+$0x9200];
	[tilespmem:s31+$0x7210] =	vst v11;
	v3 =	vadd.f32 v7, v3  }
0x149: {  	v48 =	vld [tilespmem:s2+$0x9210];
	[tilespmem:s31+$0x7220] =	vst v4;
	v2 =	vadd.f32 v5, v2  }
0x14a: {  	v49 =	vld [tilespmem:s2+$0x9220];
	[tilespmem:s31+$0x7230] =	vst v3;
	v1 =	vadd.f32 v6, v1;
	v12 =	vmul.f32 $1.131370830e+01, v12  }
0x14b: {  	v51 =	vld [tilespmem:s2+$0x9230];
	[tilespmem:s31+$0x7240] =	vst v2;
	v0 =	vadd.f32 v9, v0;
	v50 =	vmul.f32 $1.131370830e+01, v13  }
0x14c: {  	v53 =	vld [tilespmem:s2+$0x9240];
	v52 =	vmul.f32 $1.131370830e+01, v15;
	[tilespmem:s31+$0x7250] =	vst v1;
	v12 =	vadd.f32 v14, v12  }
0x14d: {  	v55 =	vld [tilespmem:s2+$0x9250];
	v54 =	vmul.f32 $1.131370830e+01, v16;
	[tilespmem:s31+$0x7260] =	vst v0;
	v3 =	vadd.f32 v47, v50  }
0x14e: {  	v57 =	vld [tilespmem:s2+$0x9260];
	v56 =	vmul.f32 $1.131370830e+01, v17;
	v2 =	vadd.f32 v48, v52;
	[tilespmem:s2+$0x7270] =	vst v12  }
0x14f: {  	v58 =	vmul.f32 $1.131370830e+01, v18;
	v1 =	vadd.f32 v49, v54;
	[tilespmem:s2+$0x7200] =	vst v3  }
0x150: {  	v59 =	vmul.f32 $1.131370830e+01, v19;
	v0 =	vadd.f32 v51, v56;
	[tilespmem:s2+$0x7210] =	vst v2  }
0x151: {  	v60 =	vmul.f32 $1.131370830e+01, v46;
	v61 =	vadd.f32 v53, v58;
	[tilespmem:s2+$0x7220] =	vst v1  }
0x152: {  	v62 =	vadd.f32 v55, v59;
	[tilespmem:s2+$0x7230] =	vst v0  }
0x153: {  	v63 =	vadd.f32 v57, v60;
	[tilespmem:s2+$0x7240] =	vst v61  }
0x154: {  	[tilespmem:s2+$0x7250] =	vst v62  }
0x155: {  	[tilespmem:s2+$0x7260] =	vst v63  }
0x156: {  	[hbm4b:s13+s3] =	stream.linear.scatter [tilespmem:s28], [sflag:$0x4], $0x1000, $0x38;
	[tilespmem:$0xA200] =	vst v63  }
0x157: {  	_ =	swait.ge [sflag:s29], $0x2000  }
0x158: {  	[sflag:s29] =	ssyncset.done $0x0  }
0x159: {  	[sflag:s29] =	ssyncadd.s32 $0xFFFFE000  }
0x15a: {  	_ =	swait.ge [sflag:s29], $0x2000  }
0x15b: {  	[sflag:s29] =	ssyncset.done $0x0  }
0x15c: {  	[sflag:s29] =	ssyncadd.s32 $0xFFFFE000  }
0x15d: {  	_ =	swait.ge [sflag:s29], $0x2000  }
0x15e: {  	[sflag:s29] =	ssyncset.done $0x0  }
0x15f: {  	s30 =	sadd.s32 $0x1, s30;
	[sflag:s29] =	ssyncadd.s32 $0xFFFFE000  }
0x160: {  	p0 =	sne.s32 s30, s14;
	_ =	swait.ge [sflag:s29], $0x1000  }
.Ltmp5:
0x161: {  	[sflag:s29] =	ssyncset.done $0x0;
	(pc) =	sbr.rel @p0 .LBB2_1-.Ltmp5, $4  }
0x162: {  	[sflag:s29] =	ssyncadd.s32 $0xFFFFF000  }
0x163: {  	_ =	swait.ge [sflag:s29], $0x1000  }
0x164: {  	[sflag:s29] =	ssyncset.done $0x0  }
0x165: {  	[sflag:s29] =	ssyncadd.s32 $0xFFFFF000  }
0x166: {  	_ =	sfence.sel $0x180000  }
0x167: {  	[bflag:$0x0] =	sbarrier.arrive $0xFFFF  }
0x168: {  	_ =	strace $0x90000047  }
0x169: {  	s0 =	stileid.u32;
	[bflag:$0x2] =	sbarrier.arrive $0xFFFF  }
0x16a: {  	p0 =	sne.s32 s0, $0x0;
	s0 =	rddreg [dreg:$0x4]  }
0x16b: {  	s0 =	sadd.s32 @!p0 $0x100000, s0  }
0x16c: {  	[sflag:s0] =	ssyncadd.tile.s32 @!p0 $0x1;
	_ =	shalt  }
.Lfunc_end2:
_tile_overlayer_lowered:
.L_overlay_start_2:
0x16d: {  	(tag) =	ssettag $0x2  }
0x16e: {  	s0 =	rddreg [dreg:$0x0];
	s2 =	stileid.u32  }
0x16f: {  	s1 =	rddreg [dreg:$0x1];
	p0 =	sne.s32 s2, $0x0  }
0x170: {  	s3 =	rddreg [dreg:$0x2];
	[bflag:$0x3] =	sbarrier.arrive $0xFFFF;
	s2 =	simm.s32 @!p0 $0x1C05  }
0x171: {  	[timem:s3], [sflag:s2] =	dma.local @!p0 [hbm:s0], s1  }
0x172: {  	s0 =	simm.s32 @!p0 $0x5  }
0x173: {  	_ =	swait.ge @!p0 [sflag:s0], s1  }
0x174: {  	s1 =	ssub.s32 @!p0 $0x0, s1;
	[sflag:s0] =	ssyncset.done @!p0 $0x0  }
0x175: {  	[sflag:s0] =	ssyncadd.s32 @!p0 s1  }
0x176: {  	[bflag:$0x3] =	sbarrier.arrive $0xFFFF  }
0x177: {  	_ =	shalt  }

</sc_bundles>
